<compile_context>
chip_gen: v7x
topology: tpu7x:2x2x1
jax: 0.10.2.dev20260603
libtpu: 0.0.44.dev20260713+nightly
codegen_flags: <defaults>
</compile_context>

<pallas_src>
import functools

import jax
import jax.numpy as jnp
from jax import lax
from jax.experimental import pallas as pl
from jax.experimental.pallas import tpu as pltpu
from jax.experimental.pallas import tpu_sc as plsc

NUM_PHONEMES = 80
NUM_STRESS = 4
HIDDEN = 256

NC = 2
NS = 16
NW = NC * NS
LANES = 16

CHUNK = 128


def _combine_body(p_ref, s_ref, o_ref, hi_ref, lo_ref):
    comb = p_ref[...][:, None, :] + s_ref[...][None, :, :]
    o_ref[...] = comb
    hi = comb.astype(jnp.bfloat16)
    hi_ref[...] = hi
    lo_ref[...] = (comb - hi.astype(jnp.float32)).astype(jnp.bfloat16)


def _combine_tables(phoneme_table, stress_table):
    shape3 = (NUM_PHONEMES, NUM_STRESS, HIDDEN)
    out3, hi3, lo3 = pl.pallas_call(
        _combine_body,
        out_shape=[
            jax.ShapeDtypeStruct(shape3, jnp.float32),
            jax.ShapeDtypeStruct(shape3, jnp.bfloat16),
            jax.ShapeDtypeStruct(shape3, jnp.bfloat16),
        ],
    )(phoneme_table, stress_table)
    flat = (NUM_PHONEMES * NUM_STRESS, HIDDEN)
    return out3.reshape(flat), hi3.reshape(flat), lo3.reshape(flat)


def _make_sc_gather(n_total, n_tokens):
    assert n_tokens % (NW * CHUNK) == 0
    b_per_w = n_tokens // NW
    n_chunks = b_per_w // CHUNK
    assert n_chunks % 2 == 0 and n_chunks >= 4
    n_pairs = n_chunks // 2
    mesh = plsc.VectorSubcoreMesh(core_axis_name="c", subcore_axis_name="s")

    @functools.partial(
        pl.kernel,
        mesh=mesh,
        out_type=jax.ShapeDtypeStruct((n_total, HIDDEN), jnp.float32),
        scratch_types=[
            pltpu.VMEM((2, CHUNK), jnp.int32),
            pltpu.VMEM((2, CHUNK), jnp.int32),
            pltpu.VMEM((2, CHUNK), jnp.int32),
            pltpu.VMEM((2, CHUNK, HIDDEN), jnp.float32),
            pltpu.SemaphoreType.DMA,
            pltpu.SemaphoreType.DMA,
            pltpu.SemaphoreType.DMA,
            pltpu.SemaphoreType.DMA,
        ],
    )
    def sc_gather(tbl_hbm, pid_hbm, sid_hbm, out_hbm, pidv, sidv, idxv, rowsv,
                  g0, g1, o0, o1):
        gsem = (g0, g1)
        osem = (o0, o1)
        wid = lax.axis_index("s") * NC + lax.axis_index("c")
        base = wid * b_per_w

        def start_chunk(i, b):
            off = base + i * CHUNK
            pltpu.sync_copy(pid_hbm.at[pl.ds(off, CHUNK)], pidv.at[b])
            pltpu.sync_copy(sid_hbm.at[pl.ds(off, CHUNK)], sidv.at[b])
            for j in range(CHUNK // LANES):
                sl = pl.ds(j * LANES, LANES)
                idxv.at[b][sl] = pidv.at[b][sl] * NUM_STRESS + sidv.at[b][sl]
            pltpu.async_copy(tbl_hbm.at[idxv.at[b]], rowsv.at[b], gsem[b])

        def finish_chunk(i, b):
            off = base + i * CHUNK
            pltpu.make_async_copy(tbl_hbm.at[idxv.at[b]], rowsv.at[b],
                                  gsem[b]).wait()
            pltpu.async_copy(rowsv.at[b], out_hbm.at[pl.ds(off, CHUNK)], osem[b])

        def drain_out(i, b):
            pltpu.make_async_copy(rowsv.at[b],
                                  out_hbm.at[pl.ds(base + i * CHUNK, CHUNK)],
                                  osem[b]).wait()

        start_chunk(0, 0)
        start_chunk(1, 1)
        finish_chunk(0, 0)

        def pair_body(gg, carry):
            i0 = 2 * gg
            drain_out(i0 - 2, 0)
            start_chunk(i0, 0)
            finish_chunk(i0 - 1, 1)
            drain_out(i0 - 1, 1)
            start_chunk(i0 + 1, 1)
            finish_chunk(i0, 0)
            return carry

        lax.fori_loop(1, n_pairs, pair_body, 0)

        finish_chunk(n_chunks - 1, 1)
        drain_out(n_chunks - 2, 0)
        drain_out(n_chunks - 1, 1)

    return sc_gather


TC_BLOCK = 8192


def _tc_gather_body(pid_ref, sid_ref, hi_ref, lo_ref, sc_ref, o_ref):
    del sc_ref
    fused = pid_ref[0, 0, :] * NUM_STRESS + sid_ref[0, 0, :]
    oh = (fused[:, None]
          == lax.broadcasted_iota(jnp.int32, (TC_BLOCK, NUM_PHONEMES * NUM_STRESS), 1))
    ohb = oh.astype(jnp.bfloat16)
    o_ref[...] = (
        jnp.dot(ohb, hi_ref[...], preferred_element_type=jnp.float32)
        + jnp.dot(ohb, lo_ref[...], preferred_element_type=jnp.float32))


def _tc_gather_tail(tbl_hi, tbl_lo, pid_tail, sid_tail, sc_buf, n_total, n_sc):
    n_tc = n_total - n_sc
    assert n_tc % TC_BLOCK == 0 and n_sc % TC_BLOCK == 0
    n_blocks = n_tc // TC_BLOCK
    k0 = n_sc // TC_BLOCK
    return pl.pallas_call(
        _tc_gather_body,
        grid=(n_blocks,),
        in_specs=[
            pl.BlockSpec((1, 1, TC_BLOCK), lambda i: (i, 0, 0)),
            pl.BlockSpec((1, 1, TC_BLOCK), lambda i: (i, 0, 0)),
            pl.BlockSpec((NUM_PHONEMES * NUM_STRESS, HIDDEN), lambda i: (0, 0)),
            pl.BlockSpec((NUM_PHONEMES * NUM_STRESS, HIDDEN), lambda i: (0, 0)),
            pl.BlockSpec(memory_space=pl.ANY),
        ],
        out_specs=pl.BlockSpec((TC_BLOCK, HIDDEN), lambda i: (i + k0, 0)),
        out_shape=jax.ShapeDtypeStruct((n_total, HIDDEN), jnp.float32),
        input_output_aliases={4: 0},
        compiler_params=pltpu.CompilerParams(
            dimension_semantics=("arbitrary",)),
    )(pid_tail.reshape(n_blocks, 1, TC_BLOCK),
      sid_tail.reshape(n_blocks, 1, TC_BLOCK),
      tbl_hi, tbl_lo, sc_buf)


SC_FRACTION_DEN = 8


def kernel(phoneme_ids, stress_ids, phoneme_table, stress_table):
    B, L = phoneme_ids.shape
    n_tokens = B * L
    combined, tbl_hi, tbl_lo = _combine_tables(
        phoneme_table.astype(jnp.float32), stress_table.astype(jnp.float32))
    pid = phoneme_ids.reshape(-1).astype(jnp.int32)
    sid = stress_ids.reshape(-1).astype(jnp.int32)
    n_sc = n_tokens // SC_FRACTION_DEN
    n_sc -= n_sc % (NW * CHUNK * 2)
    sc_buf = _make_sc_gather(n_tokens, n_sc)(combined, pid[:n_sc], sid[:n_sc])
    out = _tc_gather_tail(tbl_hi, tbl_lo, pid[n_sc:], sid[n_sc:], sc_buf,
                          n_tokens, n_sc)
    return out.reshape(B, L, HIDDEN)

# --- scband reference (transcript-rebuilt; emitter-appended) ---
"""Pipeline reference for scband-rap-vocals-embedding-1803886265708 (READ-ONLY COPY).

The authoritative reference and input builder live on the scoring server;
editing this copy changes nothing except your own understanding.
"""

import jax, jax.numpy as jnp
import numpy as np

NUM_PHONEMES = 80
NUM_STRESS = 4
HIDDEN = 256
B, L = 4096, 200

def setup_inputs(seed: int = 0) -> dict:
    key = jax.random.key(seed)
    k1, k2, k3, k4 = jax.random.split(key, 4)
    phoneme_ids = jax.random.randint(k1, (B, L), 0, NUM_PHONEMES, dtype=jnp.int64 if jax.config.jax_enable_x64 else jnp.int32)
    stress_ids = jax.random.randint(k2, (B, L), 0, NUM_STRESS, dtype=jnp.int64 if jax.config.jax_enable_x64 else jnp.int32)
    phoneme_table = jax.random.normal(k3, (NUM_PHONEMES, HIDDEN), dtype=jnp.float32)
    stress_table = jax.random.normal(k4, (NUM_STRESS, HIDDEN), dtype=jnp.float32)
    return {"phoneme_ids": phoneme_ids, "stress_ids": stress_ids, "phoneme_table": phoneme_table, "stress_table": stress_table}

def reference(phoneme_ids, stress_ids, phoneme_table, stress_table):
    phone_vecs = jnp.take(phoneme_table, phoneme_ids, axis=0)
    stress_vecs = jnp.take(stress_table, stress_ids, axis=0)
    return phone_vecs + stress_vecs

if __name__ == "__main__":
    import jax
    _d = setup_inputs()
    print(jax.jit(kernel)(*tuple(_d.values())))

</pallas_src>

<mosaic_0001>
#map = affine_map<(d0, d1) -> (0, 0)>
#map1 = affine_map<(d0, d1) -> (0)>
module attributes {stable_mosaic.version = 14 : i64} {
  func.func @sc_gather(%arg0: i32, %arg1: i32, %arg2: memref<320x256xf32, #tpu.memory_space<hbm>>, %arg3: memref<98304xi32, #tpu.memory_space<hbm>>, %arg4: memref<98304xi32, #tpu.memory_space<hbm>>, %arg5: memref<819200x256xf32, #tpu.memory_space<hbm>>, %arg6: memref<2x128xi32, #tpu.memory_space<vmem>>, %arg7: memref<2x128xi32, #tpu.memory_space<vmem>>, %arg8: memref<2x128xi32, #tpu.memory_space<vmem>>, %arg9: memref<2x128x256xf32, #tpu.memory_space<vmem>>, %arg10: memref<!tpu.dma_semaphore, #tpu.memory_space<semaphore_mem>>, %arg11: memref<!tpu.dma_semaphore, #tpu.memory_space<semaphore_mem>>, %arg12: memref<!tpu.dma_semaphore, #tpu.memory_space<semaphore_mem>>, %arg13: memref<!tpu.dma_semaphore, #tpu.memory_space<semaphore_mem>>) attributes {dimension_semantics = [#tpu.dimension_semantics<core_parallel>, #tpu.dimension_semantics<subcore_parallel>], iteration_bounds = array<i64: 2, 16>, scalar_prefetch = 0 : i64, scratch_operands = 8 : i64, tpu.core_type = #tpu.core_type<sc_vector_subcore>, window_params = [{transform_indices = #map}, {transform_indices = #map1}, {transform_indices = #map1}, {transform_indices = #map}]} {
    %mul3A = arith.constant 2 : i32
    %mul3A_0 = arith.muli %arg1, %mul3A : i32
    %add3A = arith.addi %mul3A_0, %arg0 : i32
    %mul3A_1 = arith.constant 3072 : i32
    %mul3A_2 = arith.muli %add3A, %mul3A_1 : i32
    %add3A_3 = arith.constant 0 : i32
    %add3A_4 = arith.addi %mul3A_2, %add3A_3 : i32
    %run_scoped3A = arith.constant 0 : i32
    "tpu.region"() ({
      %run_scoped3A_535 = tpu.sem_alloc : memref<!tpu.dma_semaphore, #tpu.memory_space<semaphore_mem>>
      %dma_start3A_536 = arith.constant 0 : i32
      %dma_start3A_537 = tpu.memref_slice %arg6[%run_scoped3A, %dma_start3A_536] : memref<2x128xi32, #tpu.memory_space<vmem>> -> memref<1x128xi32, #tpu.memory_space<vmem>>
      %dma_start3A_538 = tpu.memref_squeeze %dma_start3A_537 : memref<1x128xi32, #tpu.memory_space<vmem>> -> memref<128xi32, #tpu.memory_space<vmem>>
      %dma_start3A_539 = tpu.memref_slice %arg3[%add3A_4] : memref<98304xi32, #tpu.memory_space<hbm>> -> memref<128xi32, #tpu.memory_space<hbm>>
      %dma_start3A_540 = arith.constant 0 : i32
      %dma_start3A_541 = tpu.memref_slice %arg6[%run_scoped3A, %dma_start3A_540] : memref<2x128xi32, #tpu.memory_space<vmem>> -> memref<1x128xi32, #tpu.memory_space<vmem>>
      %dma_start3A_542 = tpu.memref_squeeze %dma_start3A_541 : memref<1x128xi32, #tpu.memory_space<vmem>> -> memref<128xi32, #tpu.memory_space<vmem>>
      %dma_start3A_543 = tpu.memref_slice %arg3[%add3A_4] : memref<98304xi32, #tpu.memory_space<hbm>> -> memref<128xi32, #tpu.memory_space<hbm>>
      tpu.enqueue_dma source(%dma_start3A_543 : memref<128xi32, #tpu.memory_space<hbm>>) target(%dma_start3A_542 : memref<128xi32, #tpu.memory_space<vmem>>) target_semaphore(%run_scoped3A_535 : memref<!tpu.dma_semaphore, #tpu.memory_space<semaphore_mem>>)
      %dma_wait3A_544 = arith.constant 0 : i32
      %dma_wait3A_545 = tpu.memref_slice %arg6[%run_scoped3A, %dma_wait3A_544] : memref<2x128xi32, #tpu.memory_space<vmem>> -> memref<1x128xi32, #tpu.memory_space<vmem>>
      %dma_wait3A_546 = tpu.memref_squeeze %dma_wait3A_545 : memref<1x128xi32, #tpu.memory_space<vmem>> -> memref<128xi32, #tpu.memory_space<vmem>>
      %dma_wait3A_547 = tpu.memref_slice %arg3[%add3A_4] : memref<98304xi32, #tpu.memory_space<hbm>> -> memref<128xi32, #tpu.memory_space<hbm>>
      %dma_wait3A_548 = arith.constant 0 : i32
      %dma_wait3A_549 = tpu.memref_slice %arg6[%run_scoped3A, %dma_wait3A_548] : memref<2x128xi32, #tpu.memory_space<vmem>> -> memref<1x128xi32, #tpu.memory_space<vmem>>
      %dma_wait3A_550 = tpu.memref_squeeze %dma_wait3A_549 : memref<1x128xi32, #tpu.memory_space<vmem>> -> memref<128xi32, #tpu.memory_space<vmem>>
      %dma_wait3A_551 = tpu.memref_slice %arg3[%add3A_4] : memref<98304xi32, #tpu.memory_space<hbm>> -> memref<128xi32, #tpu.memory_space<hbm>>
      tpu.wait_dma2 semaphore(%run_scoped3A_535 : memref<!tpu.dma_semaphore, #tpu.memory_space<semaphore_mem>>) src(%dma_wait3A_551 : memref<128xi32, #tpu.memory_space<hbm>>) dst(%dma_wait3A_550 : memref<128xi32, #tpu.memory_space<vmem>>)
      tpu.yield
    }) : () -> ()
    %run_scoped3A_5 = arith.constant 0 : i32
    "tpu.region"() ({
      %run_scoped3A_535 = tpu.sem_alloc : memref<!tpu.dma_semaphore, #tpu.memory_space<semaphore_mem>>
      %dma_start3A_536 = arith.constant 0 : i32
      %dma_start3A_537 = tpu.memref_slice %arg7[%run_scoped3A_5, %dma_start3A_536] : memref<2x128xi32, #tpu.memory_space<vmem>> -> memref<1x128xi32, #tpu.memory_space<vmem>>
      %dma_start3A_538 = tpu.memref_squeeze %dma_start3A_537 : memref<1x128xi32, #tpu.memory_space<vmem>> -> memref<128xi32, #tpu.memory_space<vmem>>
      %dma_start3A_539 = tpu.memref_slice %arg4[%add3A_4] : memref<98304xi32, #tpu.memory_space<hbm>> -> memref<128xi32, #tpu.memory_space<hbm>>
      %dma_start3A_540 = arith.constant 0 : i32
      %dma_start3A_541 = tpu.memref_slice %arg7[%run_scoped3A_5, %dma_start3A_540] : memref<2x128xi32, #tpu.memory_space<vmem>> -> memref<1x128xi32, #tpu.memory_space<vmem>>
      %dma_start3A_542 = tpu.memref_squeeze %dma_start3A_541 : memref<1x128xi32, #tpu.memory_space<vmem>> -> memref<128xi32, #tpu.memory_space<vmem>>
      %dma_start3A_543 = tpu.memref_slice %arg4[%add3A_4] : memref<98304xi32, #tpu.memory_space<hbm>> -> memref<128xi32, #tpu.memory_space<hbm>>
      tpu.enqueue_dma source(%dma_start3A_543 : memref<128xi32, #tpu.memory_space<hbm>>) target(%dma_start3A_542 : memref<128xi32, #tpu.memory_space<vmem>>) target_semaphore(%run_scoped3A_535 : memref<!tpu.dma_semaphore, #tpu.memory_space<semaphore_mem>>)
      %dma_wait3A_544 = arith.constant 0 : i32
      %dma_wait3A_545 = tpu.memref_slice %arg7[%run_scoped3A_5, %dma_wait3A_544] : memref<2x128xi32, #tpu.memory_space<vmem>> -> memref<1x128xi32, #tpu.memory_space<vmem>>
      %dma_wait3A_546 = tpu.memref_squeeze %dma_wait3A_545 : memref<1x128xi32, #tpu.memory_space<vmem>> -> memref<128xi32, #tpu.memory_space<vmem>>
      %dma_wait3A_547 = tpu.memref_slice %arg4[%add3A_4] : memref<98304xi32, #tpu.memory_space<hbm>> -> memref<128xi32, #tpu.memory_space<hbm>>
      %dma_wait3A_548 = arith.constant 0 : i32
      %dma_wait3A_549 = tpu.memref_slice %arg7[%run_scoped3A_5, %dma_wait3A_548] : memref<2x128xi32, #tpu.memory_space<vmem>> -> memref<1x128xi32, #tpu.memory_space<vmem>>
      %dma_wait3A_550 = tpu.memref_squeeze %dma_wait3A_549 : memref<1x128xi32, #tpu.memory_space<vmem>> -> memref<128xi32, #tpu.memory_space<vmem>>
      %dma_wait3A_551 = tpu.memref_slice %arg4[%add3A_4] : memref<98304xi32, #tpu.memory_space<hbm>> -> memref<128xi32, #tpu.memory_space<hbm>>
      tpu.wait_dma2 semaphore(%run_scoped3A_535 : memref<!tpu.dma_semaphore, #tpu.memory_space<semaphore_mem>>) src(%dma_wait3A_551 : memref<128xi32, #tpu.memory_space<hbm>>) dst(%dma_wait3A_550 : memref<128xi32, #tpu.memory_space<vmem>>)
      tpu.yield
    }) : () -> ()
    %get3A = arith.constant 0 : i32
    %get3A_6 = arith.constant 0 : i32
    %get3A_7 = tpu.memref_slice %arg6[%get3A, %get3A_6] : memref<2x128xi32, #tpu.memory_space<vmem>> -> memref<1x128xi32, #tpu.memory_space<vmem>>
    %get3A_8 = tpu.memref_squeeze %get3A_7 : memref<1x128xi32, #tpu.memory_space<vmem>> -> memref<128xi32, #tpu.memory_space<vmem>>
    %get3A_9 = arith.constant 0 : index
    %get3A_10 = tpu.vector_load %get3A_8[%get3A_9] {strides = array<i32>} : memref<128xi32, #tpu.memory_space<vmem>>, vector<16xi32>,
    %get3A_11 = vector.shape_cast %get3A_10 : vector<16xi32> to vector<16xi32>
    %mul3A_12 = arith.constant 4 : i32
    %mul3A_13 = vector.broadcast %mul3A_12 : i32 to vector<16xi32>
    %mul3A_14 = arith.muli %get3A_11, %mul3A_13 : vector<16xi32>
    %get3A_15 = arith.constant 0 : i32
    %get3A_16 = arith.constant 0 : i32
    %get3A_17 = tpu.memref_slice %arg7[%get3A_15, %get3A_16] : memref<2x128xi32, #tpu.memory_space<vmem>> -> memref<1x128xi32, #tpu.memory_space<vmem>>
    %get3A_18 = tpu.memref_squeeze %get3A_17 : memref<1x128xi32, #tpu.memory_space<vmem>> -> memref<128xi32, #tpu.memory_space<vmem>>
    %get3A_19 = arith.constant 0 : index
    %get3A_20 = tpu.vector_load %get3A_18[%get3A_19] {strides = array<i32>} : memref<128xi32, #tpu.memory_space<vmem>>, vector<16xi32>,
    %get3A_21 = vector.shape_cast %get3A_20 : vector<16xi32> to vector<16xi32>
    %add3A_22 = arith.addi %mul3A_14, %get3A_21 : vector<16xi32>
    %swap3A = arith.constant 0 : i32
    %swap3A_23 = arith.constant 0 : i32
    %swap3A_24 = tpu.memref_slice %arg8[%swap3A, %swap3A_23] : memref<2x128xi32, #tpu.memory_space<vmem>> -> memref<1x128xi32, #tpu.memory_space<vmem>>
    %swap3A_25 = tpu.memref_squeeze %swap3A_24 : memref<1x128xi32, #tpu.memory_space<vmem>> -> memref<128xi32, #tpu.memory_space<vmem>>
    %swap3A_26 = arith.constant 0 : index
    %swap3A_27 = tpu.vector_load %swap3A_25[%swap3A_26] {strides = array<i32>} : memref<128xi32, #tpu.memory_space<vmem>>, vector<16xi32>,
    %swap3A_28 = vector.shape_cast %swap3A_27 : vector<16xi32> to vector<16xi32>
    %swap3A_29 = vector.shape_cast %add3A_22 : vector<16xi32> to vector<16xi32>
    tpu.vector_store %swap3A_25[%swap3A_26], %swap3A_29 {strides = array<i32>} : memref<128xi32, #tpu.memory_space<vmem>>, vector<16xi32>,
    %get3A_30 = arith.constant 0 : i32
    %get3A_31 = arith.constant 0 : i32
    %get3A_32 = tpu.memref_slice %arg6[%get3A_30, %get3A_31] : memref<2x128xi32, #tpu.memory_space<vmem>> -> memref<1x128xi32, #tpu.memory_space<vmem>>
    %get3A_33 = tpu.memref_squeeze %get3A_32 : memref<1x128xi32, #tpu.memory_space<vmem>> -> memref<128xi32, #tpu.memory_space<vmem>>
    %get3A_34 = arith.constant 16 : index
    %get3A_35 = tpu.vector_load %get3A_33[%get3A_34] {strides = array<i32>} : memref<128xi32, #tpu.memory_space<vmem>>, vector<16xi32>,
    %get3A_36 = vector.shape_cast %get3A_35 : vector<16xi32> to vector<16xi32>
    %mul3A_37 = arith.constant 4 : i32
    %mul3A_38 = vector.broadcast %mul3A_37 : i32 to vector<16xi32>
    %mul3A_39 = arith.muli %get3A_36, %mul3A_38 : vector<16xi32>
    %get3A_40 = arith.constant 0 : i32
    %get3A_41 = arith.constant 0 : i32
    %get3A_42 = tpu.memref_slice %arg7[%get3A_40, %get3A_41] : memref<2x128xi32, #tpu.memory_space<vmem>> -> memref<1x128xi32, #tpu.memory_space<vmem>>
    %get3A_43 = tpu.memref_squeeze %get3A_42 : memref<1x128xi32, #tpu.memory_space<vmem>> -> memref<128xi32, #tpu.memory_space<vmem>>
    %get3A_44 = arith.constant 16 : index
    %get3A_45 = tpu.vector_load %get3A_43[%get3A_44] {strides = array<i32>} : memref<128xi32, #tpu.memory_space<vmem>>, vector<16xi32>,
    %get3A_46 = vector.shape_cast %get3A_45 : vector<16xi32> to vector<16xi32>
    %add3A_47 = arith.addi %mul3A_39, %get3A_46 : vector<16xi32>
    %swap3A_48 = arith.constant 0 : i32
    %swap3A_49 = arith.constant 0 : i32
    %swap3A_50 = tpu.memref_slice %arg8[%swap3A_48, %swap3A_49] : memref<2x128xi32, #tpu.memory_space<vmem>> -> memref<1x128xi32, #tpu.memory_space<vmem>>
    %swap3A_51 = tpu.memref_squeeze %swap3A_50 : memref<1x128xi32, #tpu.memory_space<vmem>> -> memref<128xi32, #tpu.memory_space<vmem>>
    %swap3A_52 = arith.constant 16 : index
    %swap3A_53 = tpu.vector_load %swap3A_51[%swap3A_52] {strides = array<i32>} : memref<128xi32, #tpu.memory_space<vmem>>, vector<16xi32>,
    %swap3A_54 = vector.shape_cast %swap3A_53 : vector<16xi32> to vector<16xi32>
    %swap3A_55 = vector.shape_cast %add3A_47 : vector<16xi32> to vector<16xi32>
    tpu.vector_store %swap3A_51[%swap3A_52], %swap3A_55 {strides = array<i32>} : memref<128xi32, #tpu.memory_space<vmem>>, vector<16xi32>,
    %get3A_56 = arith.constant 0 : i32
    %get3A_57 = arith.constant 0 : i32
    %get3A_58 = tpu.memref_slice %arg6[%get3A_56, %get3A_57] : memref<2x128xi32, #tpu.memory_space<vmem>> -> memref<1x128xi32, #tpu.memory_space<vmem>>
    %get3A_59 = tpu.memref_squeeze %get3A_58 : memref<1x128xi32, #tpu.memory_space<vmem>> -> memref<128xi32, #tpu.memory_space<vmem>>
    %get3A_60 = arith.constant 32 : index
    %get3A_61 = tpu.vector_load %get3A_59[%get3A_60] {strides = array<i32>} : memref<128xi32, #tpu.memory_space<vmem>>, vector<16xi32>,
    %get3A_62 = vector.shape_cast %get3A_61 : vector<16xi32> to vector<16xi32>
    %mul3A_63 = arith.constant 4 : i32
    %mul3A_64 = vector.broadcast %mul3A_63 : i32 to vector<16xi32>
    %mul3A_65 = arith.muli %get3A_62, %mul3A_64 : vector<16xi32>
    %get3A_66 = arith.constant 0 : i32
    %get3A_67 = arith.constant 0 : i32
    %get3A_68 = tpu.memref_slice %arg7[%get3A_66, %get3A_67] : memref<2x128xi32, #tpu.memory_space<vmem>> -> memref<1x128xi32, #tpu.memory_space<vmem>>
    %get3A_69 = tpu.memref_squeeze %get3A_68 : memref<1x128xi32, #tpu.memory_space<vmem>> -> memref<128xi32, #tpu.memory_space<vmem>>
    %get3A_70 = arith.constant 32 : index
    %get3A_71 = tpu.vector_load %get3A_69[%get3A_70] {strides = array<i32>} : memref<128xi32, #tpu.memory_space<vmem>>, vector<16xi32>,
    %get3A_72 = vector.shape_cast %get3A_71 : vector<16xi32> to vector<16xi32>
    %add3A_73 = arith.addi %mul3A_65, %get3A_72 : vector<16xi32>
    %swap3A_74 = arith.constant 0 : i32
    %swap3A_75 = arith.constant 0 : i32
    %swap3A_76 = tpu.memref_slice %arg8[%swap3A_74, %swap3A_75] : memref<2x128xi32, #tpu.memory_space<vmem>> -> memref<1x128xi32, #tpu.memory_space<vmem>>
    %swap3A_77 = tpu.memref_squeeze %swap3A_76 : memref<1x128xi32, #tpu.memory_space<vmem>> -> memref<128xi32, #tpu.memory_space<vmem>>
    %swap3A_78 = arith.constant 32 : index
    %swap3A_79 = tpu.vector_load %swap3A_77[%swap3A_78] {strides = array<i32>} : memref<128xi32, #tpu.memory_space<vmem>>, vector<16xi32>,
    %swap3A_80 = vector.shape_cast %swap3A_79 : vector<16xi32> to vector<16xi32>
    %swap3A_81 = vector.shape_cast %add3A_73 : vector<16xi32> to vector<16xi32>
    tpu.vector_store %swap3A_77[%swap3A_78], %swap3A_81 {strides = array<i32>} : memref<128xi32, #tpu.memory_space<vmem>>, vector<16xi32>,
    %get3A_82 = arith.constant 0 : i32
    %get3A_83 = arith.constant 0 : i32
    %get3A_84 = tpu.memref_slice %arg6[%get3A_82, %get3A_83] : memref<2x128xi32, #tpu.memory_space<vmem>> -> memref<1x128xi32, #tpu.memory_space<vmem>>
    %get3A_85 = tpu.memref_squeeze %get3A_84 : memref<1x128xi32, #tpu.memory_space<vmem>> -> memref<128xi32, #tpu.memory_space<vmem>>
    %get3A_86 = arith.constant 48 : index
    %get3A_87 = tpu.vector_load %get3A_85[%get3A_86] {strides = array<i32>} : memref<128xi32, #tpu.memory_space<vmem>>, vector<16xi32>,
    %get3A_88 = vector.shape_cast %get3A_87 : vector<16xi32> to vector<16xi32>
    %mul3A_89 = arith.constant 4 : i32
    %mul3A_90 = vector.broadcast %mul3A_89 : i32 to vector<16xi32>
    %mul3A_91 = arith.muli %get3A_88, %mul3A_90 : vector<16xi32>
    %get3A_92 = arith.constant 0 : i32
    %get3A_93 = arith.constant 0 : i32
    %get3A_94 = tpu.memref_slice %arg7[%get3A_92, %get3A_93] : memref<2x128xi32, #tpu.memory_space<vmem>> -> memref<1x128xi32, #tpu.memory_space<vmem>>
    %get3A_95 = tpu.memref_squeeze %get3A_94 : memref<1x128xi32, #tpu.memory_space<vmem>> -> memref<128xi32, #tpu.memory_space<vmem>>
    %get3A_96 = arith.constant 48 : index
    %get3A_97 = tpu.vector_load %get3A_95[%get3A_96] {strides = array<i32>} : memref<128xi32, #tpu.memory_space<vmem>>, vector<16xi32>,
    %get3A_98 = vector.shape_cast %get3A_97 : vector<16xi32> to vector<16xi32>
    %add3A_99 = arith.addi %mul3A_91, %get3A_98 : vector<16xi32>
    %swap3A_100 = arith.constant 0 : i32
    %swap3A_101 = arith.constant 0 : i32
    %swap3A_102 = tpu.memref_slice %arg8[%swap3A_100, %swap3A_101] : memref<2x128xi32, #tpu.memory_space<vmem>> -> memref<1x128xi32, #tpu.memory_space<vmem>>
    %swap3A_103 = tpu.memref_squeeze %swap3A_102 : memref<1x128xi32, #tpu.memory_space<vmem>> -> memref<128xi32, #tpu.memory_space<vmem>>
    %swap3A_104 = arith.constant 48 : index
    %swap3A_105 = tpu.vector_load %swap3A_103[%swap3A_104] {strides = array<i32>} : memref<128xi32, #tpu.memory_space<vmem>>, vector<16xi32>,
    %swap3A_106 = vector.shape_cast %swap3A_105 : vector<16xi32> to vector<16xi32>
    %swap3A_107 = vector.shape_cast %add3A_99 : vector<16xi32> to vector<16xi32>
    tpu.vector_store %swap3A_103[%swap3A_104], %swap3A_107 {strides = array<i32>} : memref<128xi32, #tpu.memory_space<vmem>>, vector<16xi32>,
    %get3A_108 = arith.constant 0 : i32
    %get3A_109 = arith.constant 0 : i32
    %get3A_110 = tpu.memref_slice %arg6[%get3A_108, %get3A_109] : memref<2x128xi32, #tpu.memory_space<vmem>> -> memref<1x128xi32, #tpu.memory_space<vmem>>
    %get3A_111 = tpu.memref_squeeze %get3A_110 : memref<1x128xi32, #tpu.memory_space<vmem>> -> memref<128xi32, #tpu.memory_space<vmem>>
    %get3A_112 = arith.constant 64 : index
    %get3A_113 = tpu.vector_load %get3A_111[%get3A_112] {strides = array<i32>} : memref<128xi32, #tpu.memory_space<vmem>>, vector<16xi32>,
    %get3A_114 = vector.shape_cast %get3A_113 : vector<16xi32> to vector<16xi32>
    %mul3A_115 = arith.constant 4 : i32
    %mul3A_116 = vector.broadcast %mul3A_115 : i32 to vector<16xi32>
    %mul3A_117 = arith.muli %get3A_114, %mul3A_116 : vector<16xi32>
    %get3A_118 = arith.constant 0 : i32
    %get3A_119 = arith.constant 0 : i32
    %get3A_120 = tpu.memref_slice %arg7[%get3A_118, %get3A_119] : memref<2x128xi32, #tpu.memory_space<vmem>> -> memref<1x128xi32, #tpu.memory_space<vmem>>
    %get3A_121 = tpu.memref_squeeze %get3A_120 : memref<1x128xi32, #tpu.memory_space<vmem>> -> memref<128xi32, #tpu.memory_space<vmem>>
    %get3A_122 = arith.constant 64 : index
    %get3A_123 = tpu.vector_load %get3A_121[%get3A_122] {strides = array<i32>} : memref<128xi32, #tpu.memory_space<vmem>>, vector<16xi32>,
    %get3A_124 = vector.shape_cast %get3A_123 : vector<16xi32> to vector<16xi32>
    %add3A_125 = arith.addi %mul3A_117, %get3A_124 : vector<16xi32>
    %swap3A_126 = arith.constant 0 : i32
    %swap3A_127 = arith.constant 0 : i32
    %swap3A_128 = tpu.memref_slice %arg8[%swap3A_126, %swap3A_127] : memref<2x128xi32, #tpu.memory_space<vmem>> -> memref<1x128xi32, #tpu.memory_space<vmem>>
    %swap3A_129 = tpu.memref_squeeze %swap3A_128 : memref<1x128xi32, #tpu.memory_space<vmem>> -> memref<128xi32, #tpu.memory_space<vmem>>
    %swap3A_130 = arith.constant 64 : index
    %swap3A_131 = tpu.vector_load %swap3A_129[%swap3A_130] {strides = array<i32>} : memref<128xi32, #tpu.memory_space<vmem>>, vector<16xi32>,
    %swap3A_132 = vector.shape_cast %swap3A_131 : vector<16xi32> to vector<16xi32>
    %swap3A_133 = vector.shape_cast %add3A_125 : vector<16xi32> to vector<16xi32>
    tpu.vector_store %swap3A_129[%swap3A_130], %swap3A_133 {strides = array<i32>} : memref<128xi32, #tpu.memory_space<vmem>>, vector<16xi32>,
    %get3A_134 = arith.constant 0 : i32
    %get3A_135 = arith.constant 0 : i32
    %get3A_136 = tpu.memref_slice %arg6[%get3A_134, %get3A_135] : memref<2x128xi32, #tpu.memory_space<vmem>> -> memref<1x128xi32, #tpu.memory_space<vmem>>
    %get3A_137 = tpu.memref_squeeze %get3A_136 : memref<1x128xi32, #tpu.memory_space<vmem>> -> memref<128xi32, #tpu.memory_space<vmem>>
    %get3A_138 = arith.constant 80 : index
    %get3A_139 = tpu.vector_load %get3A_137[%get3A_138] {strides = array<i32>} : memref<128xi32, #tpu.memory_space<vmem>>, vector<16xi32>,
    %get3A_140 = vector.shape_cast %get3A_139 : vector<16xi32> to vector<16xi32>
    %mul3A_141 = arith.constant 4 : i32
    %mul3A_142 = vector.broadcast %mul3A_141 : i32 to vector<16xi32>
    %mul3A_143 = arith.muli %get3A_140, %mul3A_142 : vector<16xi32>
    %get3A_144 = arith.constant 0 : i32
    %get3A_145 = arith.constant 0 : i32
    %get3A_146 = tpu.memref_slice %arg7[%get3A_144, %get3A_145] : memref<2x128xi32, #tpu.memory_space<vmem>> -> memref<1x128xi32, #tpu.memory_space<vmem>>
    %get3A_147 = tpu.memref_squeeze %get3A_146 : memref<1x128xi32, #tpu.memory_space<vmem>> -> memref<128xi32, #tpu.memory_space<vmem>>
    %get3A_148 = arith.constant 80 : index
    %get3A_149 = tpu.vector_load %get3A_147[%get3A_148] {strides = array<i32>} : memref<128xi32, #tpu.memory_space<vmem>>, vector<16xi32>,
    %get3A_150 = vector.shape_cast %get3A_149 : vector<16xi32> to vector<16xi32>
    %add3A_151 = arith.addi %mul3A_143, %get3A_150 : vector<16xi32>
    %swap3A_152 = arith.constant 0 : i32
    %swap3A_153 = arith.constant 0 : i32
    %swap3A_154 = tpu.memref_slice %arg8[%swap3A_152, %swap3A_153] : memref<2x128xi32, #tpu.memory_space<vmem>> -> memref<1x128xi32, #tpu.memory_space<vmem>>
    %swap3A_155 = tpu.memref_squeeze %swap3A_154 : memref<1x128xi32, #tpu.memory_space<vmem>> -> memref<128xi32, #tpu.memory_space<vmem>>
    %swap3A_156 = arith.constant 80 : index
    %swap3A_157 = tpu.vector_load %swap3A_155[%swap3A_156] {strides = array<i32>} : memref<128xi32, #tpu.memory_space<vmem>>, vector<16xi32>,
    %swap3A_158 = vector.shape_cast %swap3A_157 : vector<16xi32> to vector<16xi32>
    %swap3A_159 = vector.shape_cast %add3A_151 : vector<16xi32> to vector<16xi32>
    tpu.vector_store %swap3A_155[%swap3A_156], %swap3A_159 {strides = array<i32>} : memref<128xi32, #tpu.memory_space<vmem>>, vector<16xi32>,
    %get3A_160 = arith.constant 0 : i32
    %get3A_161 = arith.constant 0 : i32
    %get3A_162 = tpu.memref_slice %arg6[%get3A_160, %get3A_161] : memref<2x128xi32, #tpu.memory_space<vmem>> -> memref<1x128xi32, #tpu.memory_space<vmem>>
    %get3A_163 = tpu.memref_squeeze %get3A_162 : memref<1x128xi32, #tpu.memory_space<vmem>> -> memref<128xi32, #tpu.memory_space<vmem>>
    %get3A_164 = arith.constant 96 : index
    %get3A_165 = tpu.vector_load %get3A_163[%get3A_164] {strides = array<i32>} : memref<128xi32, #tpu.memory_space<vmem>>, vector<16xi32>,
    %get3A_166 = vector.shape_cast %get3A_165 : vector<16xi32> to vector<16xi32>
    %mul3A_167 = arith.constant 4 : i32
    %mul3A_168 = vector.broadcast %mul3A_167 : i32 to vector<16xi32>
    %mul3A_169 = arith.muli %get3A_166, %mul3A_168 : vector<16xi32>
    %get3A_170 = arith.constant 0 : i32
    %get3A_171 = arith.constant 0 : i32
    %get3A_172 = tpu.memref_slice %arg7[%get3A_170, %get3A_171] : memref<2x128xi32, #tpu.memory_space<vmem>> -> memref<1x128xi32, #tpu.memory_space<vmem>>
    %get3A_173 = tpu.memref_squeeze %get3A_172 : memref<1x128xi32, #tpu.memory_space<vmem>> -> memref<128xi32, #tpu.memory_space<vmem>>
    %get3A_174 = arith.constant 96 : index
    %get3A_175 = tpu.vector_load %get3A_173[%get3A_174] {strides = array<i32>} : memref<128xi32, #tpu.memory_space<vmem>>, vector<16xi32>,
    %get3A_176 = vector.shape_cast %get3A_175 : vector<16xi32> to vector<16xi32>
    %add3A_177 = arith.addi %mul3A_169, %get3A_176 : vector<16xi32>
    %swap3A_178 = arith.constant 0 : i32
    %swap3A_179 = arith.constant 0 : i32
    %swap3A_180 = tpu.memref_slice %arg8[%swap3A_178, %swap3A_179] : memref<2x128xi32, #tpu.memory_space<vmem>> -> memref<1x128xi32, #tpu.memory_space<vmem>>
    %swap3A_181 = tpu.memref_squeeze %swap3A_180 : memref<1x128xi32, #tpu.memory_space<vmem>> -> memref<128xi32, #tpu.memory_space<vmem>>
    %swap3A_182 = arith.constant 96 : index
    %swap3A_183 = tpu.vector_load %swap3A_181[%swap3A_182] {strides = array<i32>} : memref<128xi32, #tpu.memory_space<vmem>>, vector<16xi32>,
    %swap3A_184 = vector.shape_cast %swap3A_183 : vector<16xi32> to vector<16xi32>
    %swap3A_185 = vector.shape_cast %add3A_177 : vector<16xi32> to vector<16xi32>
    tpu.vector_store %swap3A_181[%swap3A_182], %swap3A_185 {strides = array<i32>} : memref<128xi32, #tpu.memory_space<vmem>>, vector<16xi32>,
    %get3A_186 = arith.constant 0 : i32
    %get3A_187 = arith.constant 0 : i32
    %get3A_188 = tpu.memref_slice %arg6[%get3A_186, %get3A_187] : memref<2x128xi32, #tpu.memory_space<vmem>> -> memref<1x128xi32, #tpu.memory_space<vmem>>
    %get3A_189 = tpu.memref_squeeze %get3A_188 : memref<1x128xi32, #tpu.memory_space<vmem>> -> memref<128xi32, #tpu.memory_space<vmem>>
    %get3A_190 = arith.constant 112 : index
    %get3A_191 = tpu.vector_load %get3A_189[%get3A_190] {strides = array<i32>} : memref<128xi32, #tpu.memory_space<vmem>>, vector<16xi32>,
    %get3A_192 = vector.shape_cast %get3A_191 : vector<16xi32> to vector<16xi32>
    %mul3A_193 = arith.constant 4 : i32
    %mul3A_194 = vector.broadcast %mul3A_193 : i32 to vector<16xi32>
    %mul3A_195 = arith.muli %get3A_192, %mul3A_194 : vector<16xi32>
    %get3A_196 = arith.constant 0 : i32
    %get3A_197 = arith.constant 0 : i32
    %get3A_198 = tpu.memref_slice %arg7[%get3A_196, %get3A_197] : memref<2x128xi32, #tpu.memory_space<vmem>> -> memref<1x128xi32, #tpu.memory_space<vmem>>
    %get3A_199 = tpu.memref_squeeze %get3A_198 : memref<1x128xi32, #tpu.memory_space<vmem>> -> memref<128xi32, #tpu.memory_space<vmem>>
    %get3A_200 = arith.constant 112 : index
    %get3A_201 = tpu.vector_load %get3A_199[%get3A_200] {strides = array<i32>} : memref<128xi32, #tpu.memory_space<vmem>>, vector<16xi32>,
    %get3A_202 = vector.shape_cast %get3A_201 : vector<16xi32> to vector<16xi32>
    %add3A_203 = arith.addi %mul3A_195, %get3A_202 : vector<16xi32>
    %swap3A_204 = arith.constant 0 : i32
    %swap3A_205 = arith.constant 0 : i32
    %swap3A_206 = tpu.memref_slice %arg8[%swap3A_204, %swap3A_205] : memref<2x128xi32, #tpu.memory_space<vmem>> -> memref<1x128xi32, #tpu.memory_space<vmem>>
    %swap3A_207 = tpu.memref_squeeze %swap3A_206 : memref<1x128xi32, #tpu.memory_space<vmem>> -> memref<128xi32, #tpu.memory_space<vmem>>
    %swap3A_208 = arith.constant 112 : index
    %swap3A_209 = tpu.vector_load %swap3A_207[%swap3A_208] {strides = array<i32>} : memref<128xi32, #tpu.memory_space<vmem>>, vector<16xi32>,
    %swap3A_210 = vector.shape_cast %swap3A_209 : vector<16xi32> to vector<16xi32>
    %swap3A_211 = vector.shape_cast %add3A_203 : vector<16xi32> to vector<16xi32>
    tpu.vector_store %swap3A_207[%swap3A_208], %swap3A_211 {strides = array<i32>} : memref<128xi32, #tpu.memory_space<vmem>>, vector<16xi32>,
    %dma_start3A = arith.constant 0 : i32
    %dma_start3A_212 = arith.constant 0 : i32
    %dma_start3A_213 = arith.constant 0 : i32
    %dma_start3A_214 = arith.constant 0 : i32
    %dma_start3A_215 = tpu.memref_slice %arg9[%dma_start3A_212, %dma_start3A_213, %dma_start3A_214] : memref<2x128x256xf32, #tpu.memory_space<vmem>> -> memref<1x128x256xf32, #tpu.memory_space<vmem>>
    %dma_start3A_216 = tpu.memref_squeeze %dma_start3A_215 : memref<1x128x256xf32, #tpu.memory_space<vmem>> -> memref<128x256xf32, #tpu.memory_space<vmem>>
    %dma_start3A_217 = arith.constant 0 : i32
    %dma_start3A_218 = tpu.memref_slice %arg8[%dma_start3A, %dma_start3A_217] : memref<2x128xi32, #tpu.memory_space<vmem>> -> memref<1x128xi32, #tpu.memory_space<vmem>>
    %dma_start3A_219 = tpu.memref_squeeze %dma_start3A_218 : memref<1x128xi32, #tpu.memory_space<vmem>> -> memref<128xi32, #tpu.memory_space<vmem>>
    %dma_start3A_220 = arith.constant 0 : i32
    %dma_start3A_221 = arith.constant 0 : i32
    %dma_start3A_222 = tpu.memref_slice %arg2[%dma_start3A_220, %dma_start3A_221] : memref<320x256xf32, #tpu.memory_space<hbm>> -> memref<320x256xf32, #tpu.memory_space<hbm>>
    tpu.enqueue_indirect_dma source(%dma_start3A_222 : memref<320x256xf32, #tpu.memory_space<hbm>>) target(%dma_start3A_216 : memref<128x256xf32, #tpu.memory_space<vmem>>) offsets(%dma_start3A_219 : memref<128xi32, #tpu.memory_space<vmem>>) semaphore(%arg10 : memref<!tpu.dma_semaphore, #tpu.memory_space<semaphore_mem>>)
    %add3A_223 = arith.constant 128 : i32
    %add3A_224 = arith.addi %mul3A_2, %add3A_223 : i32
    %run_scoped3A_225 = arith.constant 1 : i32
    "tpu.region"() ({
      %run_scoped3A_535 = tpu.sem_alloc : memref<!tpu.dma_semaphore, #tpu.memory_space<semaphore_mem>>
      %dma_start3A_536 = arith.constant 0 : i32
      %dma_start3A_537 = tpu.memref_slice %arg6[%run_scoped3A_225, %dma_start3A_536] : memref<2x128xi32, #tpu.memory_space<vmem>> -> memref<1x128xi32, #tpu.memory_space<vmem>>
      %dma_start3A_538 = tpu.memref_squeeze %dma_start3A_537 : memref<1x128xi32, #tpu.memory_space<vmem>> -> memref<128xi32, #tpu.memory_space<vmem>>
      %dma_start3A_539 = tpu.memref_slice %arg3[%add3A_224] : memref<98304xi32, #tpu.memory_space<hbm>> -> memref<128xi32, #tpu.memory_space<hbm>>
      %dma_start3A_540 = arith.constant 0 : i32
      %dma_start3A_541 = tpu.memref_slice %arg6[%run_scoped3A_225, %dma_start3A_540] : memref<2x128xi32, #tpu.memory_space<vmem>> -> memref<1x128xi32, #tpu.memory_space<vmem>>
      %dma_start3A_542 = tpu.memref_squeeze %dma_start3A_541 : memref<1x128xi32, #tpu.memory_space<vmem>> -> memref<128xi32, #tpu.memory_space<vmem>>
      %dma_start3A_543 = tpu.memref_slice %arg3[%add3A_224] : memref<98304xi32, #tpu.memory_space<hbm>> -> memref<128xi32, #tpu.memory_space<hbm>>
      tpu.enqueue_dma source(%dma_start3A_543 : memref<128xi32, #tpu.memory_space<hbm>>) target(%dma_start3A_542 : memref<128xi32, #tpu.memory_space<vmem>>) target_semaphore(%run_scoped3A_535 : memref<!tpu.dma_semaphore, #tpu.memory_space<semaphore_mem>>)
      %dma_wait3A_544 = arith.constant 0 : i32
      %dma_wait3A_545 = tpu.memref_slice %arg6[%run_scoped3A_225, %dma_wait3A_544] : memref<2x128xi32, #tpu.memory_space<vmem>> -> memref<1x128xi32, #tpu.memory_space<vmem>>
      %dma_wait3A_546 = tpu.memref_squeeze %dma_wait3A_545 : memref<1x128xi32, #tpu.memory_space<vmem>> -> memref<128xi32, #tpu.memory_space<vmem>>
      %dma_wait3A_547 = tpu.memref_slice %arg3[%add3A_224] : memref<98304xi32, #tpu.memory_space<hbm>> -> memref<128xi32, #tpu.memory_space<hbm>>
      %dma_wait3A_548 = arith.constant 0 : i32
      %dma_wait3A_549 = tpu.memref_slice %arg6[%run_scoped3A_225, %dma_wait3A_548] : memref<2x128xi32, #tpu.memory_space<vmem>> -> memref<1x128xi32, #tpu.memory_space<vmem>>
      %dma_wait3A_550 = tpu.memref_squeeze %dma_wait3A_549 : memref<1x128xi32, #tpu.memory_space<vmem>> -> memref<128xi32, #tpu.memory_space<vmem>>
      %dma_wait3A_551 = tpu.memref_slice %arg3[%add3A_224] : memref<98304xi32, #tpu.memory_space<hbm>> -> memref<128xi32, #tpu.memory_space<hbm>>
      tpu.wait_dma2 semaphore(%run_scoped3A_535 : memref<!tpu.dma_semaphore, #tpu.memory_space<semaphore_mem>>) src(%dma_wait3A_551 : memref<128xi32, #tpu.memory_space<hbm>>) dst(%dma_wait3A_550 : memref<128xi32, #tpu.memory_space<vmem>>)
      tpu.yield
    }) : () -> ()
    %run_scoped3A_226 = arith.constant 1 : i32
    "tpu.region"() ({
      %run_scoped3A_535 = tpu.sem_alloc : memref<!tpu.dma_semaphore, #tpu.memory_space<semaphore_mem>>
      %dma_start3A_536 = arith.constant 0 : i32
      %dma_start3A_537 = tpu.memref_slice %arg7[%run_scoped3A_226, %dma_start3A_536] : memref<2x128xi32, #tpu.memory_space<vmem>> -> memref<1x128xi32, #tpu.memory_space<vmem>>
      %dma_start3A_538 = tpu.memref_squeeze %dma_start3A_537 : memref<1x128xi32, #tpu.memory_space<vmem>> -> memref<128xi32, #tpu.memory_space<vmem>>
      %dma_start3A_539 = tpu.memref_slice %arg4[%add3A_224] : memref<98304xi32, #tpu.memory_space<hbm>> -> memref<128xi32, #tpu.memory_space<hbm>>
      %dma_start3A_540 = arith.constant 0 : i32
      %dma_start3A_541 = tpu.memref_slice %arg7[%run_scoped3A_226, %dma_start3A_540] : memref<2x128xi32, #tpu.memory_space<vmem>> -> memref<1x128xi32, #tpu.memory_space<vmem>>
      %dma_start3A_542 = tpu.memref_squeeze %dma_start3A_541 : memref<1x128xi32, #tpu.memory_space<vmem>> -> memref<128xi32, #tpu.memory_space<vmem>>
      %dma_start3A_543 = tpu.memref_slice %arg4[%add3A_224] : memref<98304xi32, #tpu.memory_space<hbm>> -> memref<128xi32, #tpu.memory_space<hbm>>
      tpu.enqueue_dma source(%dma_start3A_543 : memref<128xi32, #tpu.memory_space<hbm>>) target(%dma_start3A_542 : memref<128xi32, #tpu.memory_space<vmem>>) target_semaphore(%run_scoped3A_535 : memref<!tpu.dma_semaphore, #tpu.memory_space<semaphore_mem>>)
      %dma_wait3A_544 = arith.constant 0 : i32
      %dma_wait3A_545 = tpu.memref_slice %arg7[%run_scoped3A_226, %dma_wait3A_544] : memref<2x128xi32, #tpu.memory_space<vmem>> -> memref<1x128xi32, #tpu.memory_space<vmem>>
      %dma_wait3A_546 = tpu.memref_squeeze %dma_wait3A_545 : memref<1x128xi32, #tpu.memory_space<vmem>> -> memref<128xi32, #tpu.memory_space<vmem>>
      %dma_wait3A_547 = tpu.memref_slice %arg4[%add3A_224] : memref<98304xi32, #tpu.memory_space<hbm>> -> memref<128xi32, #tpu.memory_space<hbm>>
      %dma_wait3A_548 = arith.constant 0 : i32
      %dma_wait3A_549 = tpu.memref_slice %arg7[%run_scoped3A_226, %dma_wait3A_548] : memref<2x128xi32, #tpu.memory_space<vmem>> -> memref<1x128xi32, #tpu.memory_space<vmem>>
      %dma_wait3A_550 = tpu.memref_squeeze %dma_wait3A_549 : memref<1x128xi32, #tpu.memory_space<vmem>> -> memref<128xi32, #tpu.memory_space<vmem>>
      %dma_wait3A_551 = tpu.memref_slice %arg4[%add3A_224] : memref<98304xi32, #tpu.memory_space<hbm>> -> memref<128xi32, #tpu.memory_space<hbm>>
      tpu.wait_dma2 semaphore(%run_scoped3A_535 : memref<!tpu.dma_semaphore, #tpu.memory_space<semaphore_mem>>) src(%dma_wait3A_551 : memref<128xi32, #tpu.memory_space<hbm>>) dst(%dma_wait3A_550 : memref<128xi32, #tpu.memory_space<vmem>>)
      tpu.yield
    }) : () -> ()
    %get3A_227 = arith.constant 1 : i32
    %get3A_228 = arith.constant 0 : i32
    %get3A_229 = tpu.memref_slice %arg6[%get3A_227, %get3A_228] : memref<2x128xi32, #tpu.memory_space<vmem>> -> memref<1x128xi32, #tpu.memory_space<vmem>>
    %get3A_230 = tpu.memref_squeeze %get3A_229 : memref<1x128xi32, #tpu.memory_space<vmem>> -> memref<128xi32, #tpu.memory_space<vmem>>
    %get3A_231 = arith.constant 0 : index
    %get3A_232 = tpu.vector_load %get3A_230[%get3A_231] {strides = array<i32>} : memref<128xi32, #tpu.memory_space<vmem>>, vector<16xi32>,
    %get3A_233 = vector.shape_cast %get3A_232 : vector<16xi32> to vector<16xi32>
    %mul3A_234 = arith.constant 4 : i32
    %mul3A_235 = vector.broadcast %mul3A_234 : i32 to vector<16xi32>
    %mul3A_236 = arith.muli %get3A_233, %mul3A_235 : vector<16xi32>
    %get3A_237 = arith.constant 1 : i32
    %get3A_238 = arith.constant 0 : i32
    %get3A_239 = tpu.memref_slice %arg7[%get3A_237, %get3A_238] : memref<2x128xi32, #tpu.memory_space<vmem>> -> memref<1x128xi32, #tpu.memory_space<vmem>>
    %get3A_240 = tpu.memref_squeeze %get3A_239 : memref<1x128xi32, #tpu.memory_space<vmem>> -> memref<128xi32, #tpu.memory_space<vmem>>
    %get3A_241 = arith.constant 0 : index
    %get3A_242 = tpu.vector_load %get3A_240[%get3A_241] {strides = array<i32>} : memref<128xi32, #tpu.memory_space<vmem>>, vector<16xi32>,
    %get3A_243 = vector.shape_cast %get3A_242 : vector<16xi32> to vector<16xi32>
    %add3A_244 = arith.addi %mul3A_236, %get3A_243 : vector<16xi32>
    %swap3A_245 = arith.constant 1 : i32
    %swap3A_246 = arith.constant 0 : i32
    %swap3A_247 = tpu.memref_slice %arg8[%swap3A_245, %swap3A_246] : memref<2x128xi32, #tpu.memory_space<vmem>> -> memref<1x128xi32, #tpu.memory_space<vmem>>
    %swap3A_248 = tpu.memref_squeeze %swap3A_247 : memref<1x128xi32, #tpu.memory_space<vmem>> -> memref<128xi32, #tpu.memory_space<vmem>>
    %swap3A_249 = arith.constant 0 : index
    %swap3A_250 = tpu.vector_load %swap3A_248[%swap3A_249] {strides = array<i32>} : memref<128xi32, #tpu.memory_space<vmem>>, vector<16xi32>,
    %swap3A_251 = vector.shape_cast %swap3A_250 : vector<16xi32> to vector<16xi32>
    %swap3A_252 = vector.shape_cast %add3A_244 : vector<16xi32> to vector<16xi32>
    tpu.vector_store %swap3A_248[%swap3A_249], %swap3A_252 {strides = array<i32>} : memref<128xi32, #tpu.memory_space<vmem>>, vector<16xi32>,
    %get3A_253 = arith.constant 1 : i32
    %get3A_254 = arith.constant 0 : i32
    %get3A_255 = tpu.memref_slice %arg6[%get3A_253, %get3A_254] : memref<2x128xi32, #tpu.memory_space<vmem>> -> memref<1x128xi32, #tpu.memory_space<vmem>>
    %get3A_256 = tpu.memref_squeeze %get3A_255 : memref<1x128xi32, #tpu.memory_space<vmem>> -> memref<128xi32, #tpu.memory_space<vmem>>
    %get3A_257 = arith.constant 16 : index
    %get3A_258 = tpu.vector_load %get3A_256[%get3A_257] {strides = array<i32>} : memref<128xi32, #tpu.memory_space<vmem>>, vector<16xi32>,
    %get3A_259 = vector.shape_cast %get3A_258 : vector<16xi32> to vector<16xi32>
    %mul3A_260 = arith.constant 4 : i32
    %mul3A_261 = vector.broadcast %mul3A_260 : i32 to vector<16xi32>
    %mul3A_262 = arith.muli %get3A_259, %mul3A_261 : vector<16xi32>
    %get3A_263 = arith.constant 1 : i32
    %get3A_264 = arith.constant 0 : i32
    %get3A_265 = tpu.memref_slice %arg7[%get3A_263, %get3A_264] : memref<2x128xi32, #tpu.memory_space<vmem>> -> memref<1x128xi32, #tpu.memory_space<vmem>>
    %get3A_266 = tpu.memref_squeeze %get3A_265 : memref<1x128xi32, #tpu.memory_space<vmem>> -> memref<128xi32, #tpu.memory_space<vmem>>
    %get3A_267 = arith.constant 16 : index
    %get3A_268 = tpu.vector_load %get3A_266[%get3A_267] {strides = array<i32>} : memref<128xi32, #tpu.memory_space<vmem>>, vector<16xi32>,
    %get3A_269 = vector.shape_cast %get3A_268 : vector<16xi32> to vector<16xi32>
    %add3A_270 = arith.addi %mul3A_262, %get3A_269 : vector<16xi32>
    %swap3A_271 = arith.constant 1 : i32
    %swap3A_272 = arith.constant 0 : i32
    %swap3A_273 = tpu.memref_slice %arg8[%swap3A_271, %swap3A_272] : memref<2x128xi32, #tpu.memory_space<vmem>> -> memref<1x128xi32, #tpu.memory_space<vmem>>
    %swap3A_274 = tpu.memref_squeeze %swap3A_273 : memref<1x128xi32, #tpu.memory_space<vmem>> -> memref<128xi32, #tpu.memory_space<vmem>>
    %swap3A_275 = arith.constant 16 : index
    %swap3A_276 = tpu.vector_load %swap3A_274[%swap3A_275] {strides = array<i32>} : memref<128xi32, #tpu.memory_space<vmem>>, vector<16xi32>,
    %swap3A_277 = vector.shape_cast %swap3A_276 : vector<16xi32> to vector<16xi32>
    %swap3A_278 = vector.shape_cast %add3A_270 : vector<16xi32> to vector<16xi32>
    tpu.vector_store %swap3A_274[%swap3A_275], %swap3A_278 {strides = array<i32>} : memref<128xi32, #tpu.memory_space<vmem>>, vector<16xi32>,
    %get3A_279 = arith.constant 1 : i32
    %get3A_280 = arith.constant 0 : i32
    %get3A_281 = tpu.memref_slice %arg6[%get3A_279, %get3A_280] : memref<2x128xi32, #tpu.memory_space<vmem>> -> memref<1x128xi32, #tpu.memory_space<vmem>>
    %get3A_282 = tpu.memref_squeeze %get3A_281 : memref<1x128xi32, #tpu.memory_space<vmem>> -> memref<128xi32, #tpu.memory_space<vmem>>
    %get3A_283 = arith.constant 32 : index
    %get3A_284 = tpu.vector_load %get3A_282[%get3A_283] {strides = array<i32>} : memref<128xi32, #tpu.memory_space<vmem>>, vector<16xi32>,
    %get3A_285 = vector.shape_cast %get3A_284 : vector<16xi32> to vector<16xi32>
    %mul3A_286 = arith.constant 4 : i32
    %mul3A_287 = vector.broadcast %mul3A_286 : i32 to vector<16xi32>
    %mul3A_288 = arith.muli %get3A_285, %mul3A_287 : vector<16xi32>
    %get3A_289 = arith.constant 1 : i32
    %get3A_290 = arith.constant 0 : i32
    %get3A_291 = tpu.memref_slice %arg7[%get3A_289, %get3A_290] : memref<2x128xi32, #tpu.memory_space<vmem>> -> memref<1x128xi32, #tpu.memory_space<vmem>>
    %get3A_292 = tpu.memref_squeeze %get3A_291 : memref<1x128xi32, #tpu.memory_space<vmem>> -> memref<128xi32, #tpu.memory_space<vmem>>
    %get3A_293 = arith.constant 32 : index
    %get3A_294 = tpu.vector_load %get3A_292[%get3A_293] {strides = array<i32>} : memref<128xi32, #tpu.memory_space<vmem>>, vector<16xi32>,
    %get3A_295 = vector.shape_cast %get3A_294 : vector<16xi32> to vector<16xi32>
    %add3A_296 = arith.addi %mul3A_288, %get3A_295 : vector<16xi32>
    %swap3A_297 = arith.constant 1 : i32
    %swap3A_298 = arith.constant 0 : i32
    %swap3A_299 = tpu.memref_slice %arg8[%swap3A_297, %swap3A_298] : memref<2x128xi32, #tpu.memory_space<vmem>> -> memref<1x128xi32, #tpu.memory_space<vmem>>
    %swap3A_300 = tpu.memref_squeeze %swap3A_299 : memref<1x128xi32, #tpu.memory_space<vmem>> -> memref<128xi32, #tpu.memory_space<vmem>>
    %swap3A_301 = arith.constant 32 : index
    %swap3A_302 = tpu.vector_load %swap3A_300[%swap3A_301] {strides = array<i32>} : memref<128xi32, #tpu.memory_space<vmem>>, vector<16xi32>,
    %swap3A_303 = vector.shape_cast %swap3A_302 : vector<16xi32> to vector<16xi32>
    %swap3A_304 = vector.shape_cast %add3A_296 : vector<16xi32> to vector<16xi32>
    tpu.vector_store %swap3A_300[%swap3A_301], %swap3A_304 {strides = array<i32>} : memref<128xi32, #tpu.memory_space<vmem>>, vector<16xi32>,
    %get3A_305 = arith.constant 1 : i32
    %get3A_306 = arith.constant 0 : i32
    %get3A_307 = tpu.memref_slice %arg6[%get3A_305, %get3A_306] : memref<2x128xi32, #tpu.memory_space<vmem>> -> memref<1x128xi32, #tpu.memory_space<vmem>>
    %get3A_308 = tpu.memref_squeeze %get3A_307 : memref<1x128xi32, #tpu.memory_space<vmem>> -> memref<128xi32, #tpu.memory_space<vmem>>
    %get3A_309 = arith.constant 48 : index
    %get3A_310 = tpu.vector_load %get3A_308[%get3A_309] {strides = array<i32>} : memref<128xi32, #tpu.memory_space<vmem>>, vector<16xi32>,
    %get3A_311 = vector.shape_cast %get3A_310 : vector<16xi32> to vector<16xi32>
    %mul3A_312 = arith.constant 4 : i32
    %mul3A_313 = vector.broadcast %mul3A_312 : i32 to vector<16xi32>
    %mul3A_314 = arith.muli %get3A_311, %mul3A_313 : vector<16xi32>
    %get3A_315 = arith.constant 1 : i32
    %get3A_316 = arith.constant 0 : i32
    %get3A_317 = tpu.memref_slice %arg7[%get3A_315, %get3A_316] : memref<2x128xi32, #tpu.memory_space<vmem>> -> memref<1x128xi32, #tpu.memory_space<vmem>>
    %get3A_318 = tpu.memref_squeeze %get3A_317 : memref<1x128xi32, #tpu.memory_space<vmem>> -> memref<128xi32, #tpu.memory_space<vmem>>
    %get3A_319 = arith.constant 48 : index
    %get3A_320 = tpu.vector_load %get3A_318[%get3A_319] {strides = array<i32>} : memref<128xi32, #tpu.memory_space<vmem>>, vector<16xi32>,
    %get3A_321 = vector.shape_cast %get3A_320 : vector<16xi32> to vector<16xi32>
    %add3A_322 = arith.addi %mul3A_314, %get3A_321 : vector<16xi32>
    %swap3A_323 = arith.constant 1 : i32
    %swap3A_324 = arith.constant 0 : i32
    %swap3A_325 = tpu.memref_slice %arg8[%swap3A_323, %swap3A_324] : memref<2x128xi32, #tpu.memory_space<vmem>> -> memref<1x128xi32, #tpu.memory_space<vmem>>
    %swap3A_326 = tpu.memref_squeeze %swap3A_325 : memref<1x128xi32, #tpu.memory_space<vmem>> -> memref<128xi32, #tpu.memory_space<vmem>>
    %swap3A_327 = arith.constant 48 : index
    %swap3A_328 = tpu.vector_load %swap3A_326[%swap3A_327] {strides = array<i32>} : memref<128xi32, #tpu.memory_space<vmem>>, vector<16xi32>,
    %swap3A_329 = vector.shape_cast %swap3A_328 : vector<16xi32> to vector<16xi32>
    %swap3A_330 = vector.shape_cast %add3A_322 : vector<16xi32> to vector<16xi32>
    tpu.vector_store %swap3A_326[%swap3A_327], %swap3A_330 {strides = array<i32>} : memref<128xi32, #tpu.memory_space<vmem>>, vector<16xi32>,
    %get3A_331 = arith.constant 1 : i32
    %get3A_332 = arith.constant 0 : i32
    %get3A_333 = tpu.memref_slice %arg6[%get3A_331, %get3A_332] : memref<2x128xi32, #tpu.memory_space<vmem>> -> memref<1x128xi32, #tpu.memory_space<vmem>>
    %get3A_334 = tpu.memref_squeeze %get3A_333 : memref<1x128xi32, #tpu.memory_space<vmem>> -> memref<128xi32, #tpu.memory_space<vmem>>
    %get3A_335 = arith.constant 64 : index
    %get3A_336 = tpu.vector_load %get3A_334[%get3A_335] {strides = array<i32>} : memref<128xi32, #tpu.memory_space<vmem>>, vector<16xi32>,
    %get3A_337 = vector.shape_cast %get3A_336 : vector<16xi32> to vector<16xi32>
    %mul3A_338 = arith.constant 4 : i32
    %mul3A_339 = vector.broadcast %mul3A_338 : i32 to vector<16xi32>
    %mul3A_340 = arith.muli %get3A_337, %mul3A_339 : vector<16xi32>
    %get3A_341 = arith.constant 1 : i32
    %get3A_342 = arith.constant 0 : i32
    %get3A_343 = tpu.memref_slice %arg7[%get3A_341, %get3A_342] : memref<2x128xi32, #tpu.memory_space<vmem>> -> memref<1x128xi32, #tpu.memory_space<vmem>>
    %get3A_344 = tpu.memref_squeeze %get3A_343 : memref<1x128xi32, #tpu.memory_space<vmem>> -> memref<128xi32, #tpu.memory_space<vmem>>
    %get3A_345 = arith.constant 64 : index
    %get3A_346 = tpu.vector_load %get3A_344[%get3A_345] {strides = array<i32>} : memref<128xi32, #tpu.memory_space<vmem>>, vector<16xi32>,
    %get3A_347 = vector.shape_cast %get3A_346 : vector<16xi32> to vector<16xi32>
    %add3A_348 = arith.addi %mul3A_340, %get3A_347 : vector<16xi32>
    %swap3A_349 = arith.constant 1 : i32
    %swap3A_350 = arith.constant 0 : i32
    %swap3A_351 = tpu.memref_slice %arg8[%swap3A_349, %swap3A_350] : memref<2x128xi32, #tpu.memory_space<vmem>> -> memref<1x128xi32, #tpu.memory_space<vmem>>
    %swap3A_352 = tpu.memref_squeeze %swap3A_351 : memref<1x128xi32, #tpu.memory_space<vmem>> -> memref<128xi32, #tpu.memory_space<vmem>>
    %swap3A_353 = arith.constant 64 : index
    %swap3A_354 = tpu.vector_load %swap3A_352[%swap3A_353] {strides = array<i32>} : memref<128xi32, #tpu.memory_space<vmem>>, vector<16xi32>,
    %swap3A_355 = vector.shape_cast %swap3A_354 : vector<16xi32> to vector<16xi32>
    %swap3A_356 = vector.shape_cast %add3A_348 : vector<16xi32> to vector<16xi32>
    tpu.vector_store %swap3A_352[%swap3A_353], %swap3A_356 {strides = array<i32>} : memref<128xi32, #tpu.memory_space<vmem>>, vector<16xi32>,
    %get3A_357 = arith.constant 1 : i32
    %get3A_358 = arith.constant 0 : i32
    %get3A_359 = tpu.memref_slice %arg6[%get3A_357, %get3A_358] : memref<2x128xi32, #tpu.memory_space<vmem>> -> memref<1x128xi32, #tpu.memory_space<vmem>>
    %get3A_360 = tpu.memref_squeeze %get3A_359 : memref<1x128xi32, #tpu.memory_space<vmem>> -> memref<128xi32, #tpu.memory_space<vmem>>
    %get3A_361 = arith.constant 80 : index
    %get3A_362 = tpu.vector_load %get3A_360[%get3A_361] {strides = array<i32>} : memref<128xi32, #tpu.memory_space<vmem>>, vector<16xi32>,
    %get3A_363 = vector.shape_cast %get3A_362 : vector<16xi32> to vector<16xi32>
    %mul3A_364 = arith.constant 4 : i32
    %mul3A_365 = vector.broadcast %mul3A_364 : i32 to vector<16xi32>
    %mul3A_366 = arith.muli %get3A_363, %mul3A_365 : vector<16xi32>
    %get3A_367 = arith.constant 1 : i32
    %get3A_368 = arith.constant 0 : i32
    %get3A_369 = tpu.memref_slice %arg7[%get3A_367, %get3A_368] : memref<2x128xi32, #tpu.memory_space<vmem>> -> memref<1x128xi32, #tpu.memory_space<vmem>>
    %get3A_370 = tpu.memref_squeeze %get3A_369 : memref<1x128xi32, #tpu.memory_space<vmem>> -> memref<128xi32, #tpu.memory_space<vmem>>
    %get3A_371 = arith.constant 80 : index
    %get3A_372 = tpu.vector_load %get3A_370[%get3A_371] {strides = array<i32>} : memref<128xi32, #tpu.memory_space<vmem>>, vector<16xi32>,
    %get3A_373 = vector.shape_cast %get3A_372 : vector<16xi32> to vector<16xi32>
    %add3A_374 = arith.addi %mul3A_366, %get3A_373 : vector<16xi32>
    %swap3A_375 = arith.constant 1 : i32
    %swap3A_376 = arith.constant 0 : i32
    %swap3A_377 = tpu.memref_slice %arg8[%swap3A_375, %swap3A_376] : memref<2x128xi32, #tpu.memory_space<vmem>> -> memref<1x128xi32, #tpu.memory_space<vmem>>
    %swap3A_378 = tpu.memref_squeeze %swap3A_377 : memref<1x128xi32, #tpu.memory_space<vmem>> -> memref<128xi32, #tpu.memory_space<vmem>>
    %swap3A_379 = arith.constant 80 : index
    %swap3A_380 = tpu.vector_load %swap3A_378[%swap3A_379] {strides = array<i32>} : memref<128xi32, #tpu.memory_space<vmem>>, vector<16xi32>,
    %swap3A_381 = vector.shape_cast %swap3A_380 : vector<16xi32> to vector<16xi32>
    %swap3A_382 = vector.shape_cast %add3A_374 : vector<16xi32> to vector<16xi32>
    tpu.vector_store %swap3A_378[%swap3A_379], %swap3A_382 {strides = array<i32>} : memref<128xi32, #tpu.memory_space<vmem>>, vector<16xi32>,
    %get3A_383 = arith.constant 1 : i32
    %get3A_384 = arith.constant 0 : i32
    %get3A_385 = tpu.memref_slice %arg6[%get3A_383, %get3A_384] : memref<2x128xi32, #tpu.memory_space<vmem>> -> memref<1x128xi32, #tpu.memory_space<vmem>>
    %get3A_386 = tpu.memref_squeeze %get3A_385 : memref<1x128xi32, #tpu.memory_space<vmem>> -> memref<128xi32, #tpu.memory_space<vmem>>
    %get3A_387 = arith.constant 96 : index
    %get3A_388 = tpu.vector_load %get3A_386[%get3A_387] {strides = array<i32>} : memref<128xi32, #tpu.memory_space<vmem>>, vector<16xi32>,
    %get3A_389 = vector.shape_cast %get3A_388 : vector<16xi32> to vector<16xi32>
    %mul3A_390 = arith.constant 4 : i32
    %mul3A_391 = vector.broadcast %mul3A_390 : i32 to vector<16xi32>
    %mul3A_392 = arith.muli %get3A_389, %mul3A_391 : vector<16xi32>
    %get3A_393 = arith.constant 1 : i32
    %get3A_394 = arith.constant 0 : i32
    %get3A_395 = tpu.memref_slice %arg7[%get3A_393, %get3A_394] : memref<2x128xi32, #tpu.memory_space<vmem>> -> memref<1x128xi32, #tpu.memory_space<vmem>>
    %get3A_396 = tpu.memref_squeeze %get3A_395 : memref<1x128xi32, #tpu.memory_space<vmem>> -> memref<128xi32, #tpu.memory_space<vmem>>
    %get3A_397 = arith.constant 96 : index
    %get3A_398 = tpu.vector_load %get3A_396[%get3A_397] {strides = array<i32>} : memref<128xi32, #tpu.memory_space<vmem>>, vector<16xi32>,
    %get3A_399 = vector.shape_cast %get3A_398 : vector<16xi32> to vector<16xi32>
    %add3A_400 = arith.addi %mul3A_392, %get3A_399 : vector<16xi32>
    %swap3A_401 = arith.constant 1 : i32
    %swap3A_402 = arith.constant 0 : i32
    %swap3A_403 = tpu.memref_slice %arg8[%swap3A_401, %swap3A_402] : memref<2x128xi32, #tpu.memory_space<vmem>> -> memref<1x128xi32, #tpu.memory_space<vmem>>
    %swap3A_404 = tpu.memref_squeeze %swap3A_403 : memref<1x128xi32, #tpu.memory_space<vmem>> -> memref<128xi32, #tpu.memory_space<vmem>>
    %swap3A_405 = arith.constant 96 : index
    %swap3A_406 = tpu.vector_load %swap3A_404[%swap3A_405] {strides = array<i32>} : memref<128xi32, #tpu.memory_space<vmem>>, vector<16xi32>,
    %swap3A_407 = vector.shape_cast %swap3A_406 : vector<16xi32> to vector<16xi32>
    %swap3A_408 = vector.shape_cast %add3A_400 : vector<16xi32> to vector<16xi32>
    tpu.vector_store %swap3A_404[%swap3A_405], %swap3A_408 {strides = array<i32>} : memref<128xi32, #tpu.memory_space<vmem>>, vector<16xi32>,
    %get3A_409 = arith.constant 1 : i32
    %get3A_410 = arith.constant 0 : i32
    %get3A_411 = tpu.memref_slice %arg6[%get3A_409, %get3A_410] : memref<2x128xi32, #tpu.memory_space<vmem>> -> memref<1x128xi32, #tpu.memory_space<vmem>>
    %get3A_412 = tpu.memref_squeeze %get3A_411 : memref<1x128xi32, #tpu.memory_space<vmem>> -> memref<128xi32, #tpu.memory_space<vmem>>
    %get3A_413 = arith.constant 112 : index
    %get3A_414 = tpu.vector_load %get3A_412[%get3A_413] {strides = array<i32>} : memref<128xi32, #tpu.memory_space<vmem>>, vector<16xi32>,
    %get3A_415 = vector.shape_cast %get3A_414 : vector<16xi32> to vector<16xi32>
    %mul3A_416 = arith.constant 4 : i32
    %mul3A_417 = vector.broadcast %mul3A_416 : i32 to vector<16xi32>
    %mul3A_418 = arith.muli %get3A_415, %mul3A_417 : vector<16xi32>
    %get3A_419 = arith.constant 1 : i32
    %get3A_420 = arith.constant 0 : i32
    %get3A_421 = tpu.memref_slice %arg7[%get3A_419, %get3A_420] : memref<2x128xi32, #tpu.memory_space<vmem>> -> memref<1x128xi32, #tpu.memory_space<vmem>>
    %get3A_422 = tpu.memref_squeeze %get3A_421 : memref<1x128xi32, #tpu.memory_space<vmem>> -> memref<128xi32, #tpu.memory_space<vmem>>
    %get3A_423 = arith.constant 112 : index
    %get3A_424 = tpu.vector_load %get3A_422[%get3A_423] {strides = array<i32>} : memref<128xi32, #tpu.memory_space<vmem>>, vector<16xi32>,
    %get3A_425 = vector.shape_cast %get3A_424 : vector<16xi32> to vector<16xi32>
    %add3A_426 = arith.addi %mul3A_418, %get3A_425 : vector<16xi32>
    %swap3A_427 = arith.constant 1 : i32
    %swap3A_428 = arith.constant 0 : i32
    %swap3A_429 = tpu.memref_slice %arg8[%swap3A_427, %swap3A_428] : memref<2x128xi32, #tpu.memory_space<vmem>> -> memref<1x128xi32, #tpu.memory_space<vmem>>
    %swap3A_430 = tpu.memref_squeeze %swap3A_429 : memref<1x128xi32, #tpu.memory_space<vmem>> -> memref<128xi32, #tpu.memory_space<vmem>>
    %swap3A_431 = arith.constant 112 : index
    %swap3A_432 = tpu.vector_load %swap3A_430[%swap3A_431] {strides = array<i32>} : memref<128xi32, #tpu.memory_space<vmem>>, vector<16xi32>,
    %swap3A_433 = vector.shape_cast %swap3A_432 : vector<16xi32> to vector<16xi32>
    %swap3A_434 = vector.shape_cast %add3A_426 : vector<16xi32> to vector<16xi32>
    tpu.vector_store %swap3A_430[%swap3A_431], %swap3A_434 {strides = array<i32>} : memref<128xi32, #tpu.memory_space<vmem>>, vector<16xi32>,
    %dma_start3A_435 = arith.constant 1 : i32
    %dma_start3A_436 = arith.constant 1 : i32
    %dma_start3A_437 = arith.constant 0 : i32
    %dma_start3A_438 = arith.constant 0 : i32
    %dma_start3A_439 = tpu.memref_slice %arg9[%dma_start3A_436, %dma_start3A_437, %dma_start3A_438] : memref<2x128x256xf32, #tpu.memory_space<vmem>> -> memref<1x128x256xf32, #tpu.memory_space<vmem>>
    %dma_start3A_440 = tpu.memref_squeeze %dma_start3A_439 : memref<1x128x256xf32, #tpu.memory_space<vmem>> -> memref<128x256xf32, #tpu.memory_space<vmem>>
    %dma_start3A_441 = arith.constant 0 : i32
    %dma_start3A_442 = tpu.memref_slice %arg8[%dma_start3A_435, %dma_start3A_441] : memref<2x128xi32, #tpu.memory_space<vmem>> -> memref<1x128xi32, #tpu.memory_space<vmem>>
    %dma_start3A_443 = tpu.memref_squeeze %dma_start3A_442 : memref<1x128xi32, #tpu.memory_space<vmem>> -> memref<128xi32, #tpu.memory_space<vmem>>
    %dma_start3A_444 = arith.constant 0 : i32
    %dma_start3A_445 = arith.constant 0 : i32
    %dma_start3A_446 = tpu.memref_slice %arg2[%dma_start3A_444, %dma_start3A_445] : memref<320x256xf32, #tpu.memory_space<hbm>> -> memref<320x256xf32, #tpu.memory_space<hbm>>
    tpu.enqueue_indirect_dma source(%dma_start3A_446 : memref<320x256xf32, #tpu.memory_space<hbm>>) target(%dma_start3A_440 : memref<128x256xf32, #tpu.memory_space<vmem>>) offsets(%dma_start3A_443 : memref<128xi32, #tpu.memory_space<vmem>>) semaphore(%arg11 : memref<!tpu.dma_semaphore, #tpu.memory_space<semaphore_mem>>)
    %add3A_447 = arith.constant 0 : i32
    %add3A_448 = arith.addi %mul3A_2, %add3A_447 : i32
    %dma_wait3A = arith.constant 0 : i32
    %dma_wait3A_449 = arith.constant 0 : i32
    %dma_wait3A_450 = arith.constant 0 : i32
    %dma_wait3A_451 = arith.constant 0 : i32
    %dma_wait3A_452 = tpu.memref_slice %arg9[%dma_wait3A_449, %dma_wait3A_450, %dma_wait3A_451] : memref<2x128x256xf32, #tpu.memory_space<vmem>> -> memref<1x128x256xf32, #tpu.memory_space<vmem>>
    %dma_wait3A_453 = tpu.memref_squeeze %dma_wait3A_452 : memref<1x128x256xf32, #tpu.memory_space<vmem>> -> memref<128x256xf32, #tpu.memory_space<vmem>>
    %dma_wait3A_454 = arith.constant 0 : i32
    %dma_wait3A_455 = tpu.memref_slice %arg8[%dma_wait3A, %dma_wait3A_454] : memref<2x128xi32, #tpu.memory_space<vmem>> -> memref<1x128xi32, #tpu.memory_space<vmem>>
    %dma_wait3A_456 = tpu.memref_squeeze %dma_wait3A_455 : memref<1x128xi32, #tpu.memory_space<vmem>> -> memref<128xi32, #tpu.memory_space<vmem>>
    %dma_wait3A_457 = arith.constant 0 : i32
    %dma_wait3A_458 = arith.constant 0 : i32
    %dma_wait3A_459 = tpu.memref_slice %arg2[%dma_wait3A_457, %dma_wait3A_458] : memref<320x256xf32, #tpu.memory_space<hbm>> -> memref<320x256xf32, #tpu.memory_space<hbm>>
    tpu.wait_indirect_dma semaphore(%arg10 : memref<!tpu.dma_semaphore, #tpu.memory_space<semaphore_mem>>) src(%dma_wait3A_459 : memref<320x256xf32, #tpu.memory_space<hbm>>) dst(%dma_wait3A_453 : memref<128x256xf32, #tpu.memory_space<vmem>>)
    %dma_start3A_460 = arith.constant 0 : i32
    %dma_start3A_461 = arith.constant 0 : i32
    %dma_start3A_462 = arith.constant 0 : i32
    %dma_start3A_463 = tpu.memref_slice %arg9[%dma_start3A_460, %dma_start3A_461, %dma_start3A_462] : memref<2x128x256xf32, #tpu.memory_space<vmem>> -> memref<1x128x256xf32, #tpu.memory_space<vmem>>
    %dma_start3A_464 = tpu.memref_squeeze %dma_start3A_463 : memref<1x128x256xf32, #tpu.memory_space<vmem>> -> memref<128x256xf32, #tpu.memory_space<vmem>>
    %dma_start3A_465 = arith.constant 0 : i32
    %dma_start3A_466 = tpu.memref_slice %arg5[%add3A_448, %dma_start3A_465] : memref<819200x256xf32, #tpu.memory_space<hbm>> -> memref<128x256xf32, #tpu.memory_space<hbm>>
    %dma_start3A_467 = arith.constant 0 : i32
    %dma_start3A_468 = tpu.memref_slice %arg5[%add3A_448, %dma_start3A_467] : memref<819200x256xf32, #tpu.memory_space<hbm>> -> memref<128x256xf32, #tpu.memory_space<hbm>>
    %dma_start3A_469 = arith.constant 0 : i32
    %dma_start3A_470 = arith.constant 0 : i32
    %dma_start3A_471 = tpu.memref_slice %arg9[%dma_start3A_460, %dma_start3A_469, %dma_start3A_470] : memref<2x128x256xf32, #tpu.memory_space<vmem>> -> memref<1x128x256xf32, #tpu.memory_space<vmem>>
    %dma_start3A_472 = tpu.memref_squeeze %dma_start3A_471 : memref<1x128x256xf32, #tpu.memory_space<vmem>> -> memref<128x256xf32, #tpu.memory_space<vmem>>
    tpu.enqueue_dma source(%dma_start3A_472 : memref<128x256xf32, #tpu.memory_space<vmem>>) target(%dma_start3A_468 : memref<128x256xf32, #tpu.memory_space<hbm>>) target_semaphore(%arg12 : memref<!tpu.dma_semaphore, #tpu.memory_space<semaphore_mem>>)
    %scan3A = arith.constant 0 : i32
    %scan3A_473 = arith.constant 1 : i32
    %scan3A_474 = arith.constant 11 : i32
    %scan3A_475 = arith.addi %scan3A_473, %scan3A_474 : i32
    %scan3A_476 = arith.constant 1 : i32
    scf.for %scan3A_535 = %scan3A_473 to %scan3A_475 step %scan3A_476  : i32 {
      %mul3A_536 = arith.constant 2 : i32
      %mul3A_537 = arith.muli %mul3A_536, %scan3A_535 : i32
      %sub3A = arith.constant 2 : i32
      %sub3A_538 = arith.subi %mul3A_537, %sub3A : i32
      %mul3A_539 = arith.constant 128 : i32
      %mul3A_540 = arith.muli %sub3A_538, %mul3A_539 : i32
      %add3A_541 = arith.addi %mul3A_2, %mul3A_540 : i32
      %dma_wait3A_542 = arith.constant 0 : i32
      %dma_wait3A_543 = arith.constant 0 : i32
      %dma_wait3A_544 = arith.constant 0 : i32
      %dma_wait3A_545 = tpu.memref_slice %arg9[%dma_wait3A_542, %dma_wait3A_543, %dma_wait3A_544] : memref<2x128x256xf32, #tpu.memory_space<vmem>> -> memref<1x128x256xf32, #tpu.memory_space<vmem>>
      %dma_wait3A_546 = tpu.memref_squeeze %dma_wait3A_545 : memref<1x128x256xf32, #tpu.memory_space<vmem>> -> memref<128x256xf32, #tpu.memory_space<vmem>>
      %dma_wait3A_547 = arith.constant 0 : i32
      %dma_wait3A_548 = tpu.memref_slice %arg5[%add3A_541, %dma_wait3A_547] : memref<819200x256xf32, #tpu.memory_space<hbm>> -> memref<128x256xf32, #tpu.memory_space<hbm>>
      %dma_wait3A_549 = arith.constant 0 : i32
      %dma_wait3A_550 = tpu.memref_slice %arg5[%add3A_541, %dma_wait3A_549] : memref<819200x256xf32, #tpu.memory_space<hbm>> -> memref<128x256xf32, #tpu.memory_space<hbm>>
      %dma_wait3A_551 = arith.constant 0 : i32
      %dma_wait3A_552 = arith.constant 0 : i32
      %dma_wait3A_553 = tpu.memref_slice %arg9[%dma_wait3A_542, %dma_wait3A_551, %dma_wait3A_552] : memref<2x128x256xf32, #tpu.memory_space<vmem>> -> memref<1x128x256xf32, #tpu.memory_space<vmem>>
      %dma_wait3A_554 = tpu.memref_squeeze %dma_wait3A_553 : memref<1x128x256xf32, #tpu.memory_space<vmem>> -> memref<128x256xf32, #tpu.memory_space<vmem>>
      tpu.wait_dma2 semaphore(%arg12 : memref<!tpu.dma_semaphore, #tpu.memory_space<semaphore_mem>>) src(%dma_wait3A_554 : memref<128x256xf32, #tpu.memory_space<vmem>>) dst(%dma_wait3A_550 : memref<128x256xf32, #tpu.memory_space<hbm>>)
      %mul3A_555 = arith.constant 128 : i32
      %mul3A_556 = arith.muli %mul3A_537, %mul3A_555 : i32
      %add3A_557 = arith.addi %mul3A_2, %mul3A_556 : i32
      %run_scoped3A_558 = arith.constant 0 : i32
      "tpu.region"() ({
        %run_scoped3A_1083 = tpu.sem_alloc : memref<!tpu.dma_semaphore, #tpu.memory_space<semaphore_mem>>
        %dma_start3A_1084 = arith.constant 0 : i32
        %dma_start3A_1085 = tpu.memref_slice %arg6[%run_scoped3A_558, %dma_start3A_1084] : memref<2x128xi32, #tpu.memory_space<vmem>> -> memref<1x128xi32, #tpu.memory_space<vmem>>
        %dma_start3A_1086 = tpu.memref_squeeze %dma_start3A_1085 : memref<1x128xi32, #tpu.memory_space<vmem>> -> memref<128xi32, #tpu.memory_space<vmem>>
        %dma_start3A_1087 = tpu.memref_slice %arg3[%add3A_557] : memref<98304xi32, #tpu.memory_space<hbm>> -> memref<128xi32, #tpu.memory_space<hbm>>
        %dma_start3A_1088 = arith.constant 0 : i32
        %dma_start3A_1089 = tpu.memref_slice %arg6[%run_scoped3A_558, %dma_start3A_1088] : memref<2x128xi32, #tpu.memory_space<vmem>> -> memref<1x128xi32, #tpu.memory_space<vmem>>
        %dma_start3A_1090 = tpu.memref_squeeze %dma_start3A_1089 : memref<1x128xi32, #tpu.memory_space<vmem>> -> memref<128xi32, #tpu.memory_space<vmem>>
        %dma_start3A_1091 = tpu.memref_slice %arg3[%add3A_557] : memref<98304xi32, #tpu.memory_space<hbm>> -> memref<128xi32, #tpu.memory_space<hbm>>
        tpu.enqueue_dma source(%dma_start3A_1091 : memref<128xi32, #tpu.memory_space<hbm>>) target(%dma_start3A_1090 : memref<128xi32, #tpu.memory_space<vmem>>) target_semaphore(%run_scoped3A_1083 : memref<!tpu.dma_semaphore, #tpu.memory_space<semaphore_mem>>)
        %dma_wait3A_1092 = arith.constant 0 : i32
        %dma_wait3A_1093 = tpu.memref_slice %arg6[%run_scoped3A_558, %dma_wait3A_1092] : memref<2x128xi32, #tpu.memory_space<vmem>> -> memref<1x128xi32, #tpu.memory_space<vmem>>
        %dma_wait3A_1094 = tpu.memref_squeeze %dma_wait3A_1093 : memref<1x128xi32, #tpu.memory_space<vmem>> -> memref<128xi32, #tpu.memory_space<vmem>>
        %dma_wait3A_1095 = tpu.memref_slice %arg3[%add3A_557] : memref<98304xi32, #tpu.memory_space<hbm>> -> memref<128xi32, #tpu.memory_space<hbm>>
        %dma_wait3A_1096 = arith.constant 0 : i32
        %dma_wait3A_1097 = tpu.memref_slice %arg6[%run_scoped3A_558, %dma_wait3A_1096] : memref<2x128xi32, #tpu.memory_space<vmem>> -> memref<1x128xi32, #tpu.memory_space<vmem>>
        %dma_wait3A_1098 = tpu.memref_squeeze %dma_wait3A_1097 : memref<1x128xi32, #tpu.memory_space<vmem>> -> memref<128xi32, #tpu.memory_space<vmem>>
        %dma_wait3A_1099 = tpu.memref_slice %arg3[%add3A_557] : memref<98304xi32, #tpu.memory_space<hbm>> -> memref<128xi32, #tpu.memory_space<hbm>>
        tpu.wait_dma2 semaphore(%run_scoped3A_1083 : memref<!tpu.dma_semaphore, #tpu.memory_space<semaphore_mem>>) src(%dma_wait3A_1099 : memref<128xi32, #tpu.memory_space<hbm>>) dst(%dma_wait3A_1098 : memref<128xi32, #tpu.memory_space<vmem>>)
        tpu.yield
      }) : () -> ()
      %run_scoped3A_559 = arith.constant 0 : i32
      "tpu.region"() ({
        %run_scoped3A_1083 = tpu.sem_alloc : memref<!tpu.dma_semaphore, #tpu.memory_space<semaphore_mem>>
        %dma_start3A_1084 = arith.constant 0 : i32
        %dma_start3A_1085 = tpu.memref_slice %arg7[%run_scoped3A_559, %dma_start3A_1084] : memref<2x128xi32, #tpu.memory_space<vmem>> -> memref<1x128xi32, #tpu.memory_space<vmem>>
        %dma_start3A_1086 = tpu.memref_squeeze %dma_start3A_1085 : memref<1x128xi32, #tpu.memory_space<vmem>> -> memref<128xi32, #tpu.memory_space<vmem>>
        %dma_start3A_1087 = tpu.memref_slice %arg4[%add3A_557] : memref<98304xi32, #tpu.memory_space<hbm>> -> memref<128xi32, #tpu.memory_space<hbm>>
        %dma_start3A_1088 = arith.constant 0 : i32
        %dma_start3A_1089 = tpu.memref_slice %arg7[%run_scoped3A_559, %dma_start3A_1088] : memref<2x128xi32, #tpu.memory_space<vmem>> -> memref<1x128xi32, #tpu.memory_space<vmem>>
        %dma_start3A_1090 = tpu.memref_squeeze %dma_start3A_1089 : memref<1x128xi32, #tpu.memory_space<vmem>> -> memref<128xi32, #tpu.memory_space<vmem>>
        %dma_start3A_1091 = tpu.memref_slice %arg4[%add3A_557] : memref<98304xi32, #tpu.memory_space<hbm>> -> memref<128xi32, #tpu.memory_space<hbm>>
        tpu.enqueue_dma source(%dma_start3A_1091 : memref<128xi32, #tpu.memory_space<hbm>>) target(%dma_start3A_1090 : memref<128xi32, #tpu.memory_space<vmem>>) target_semaphore(%run_scoped3A_1083 : memref<!tpu.dma_semaphore, #tpu.memory_space<semaphore_mem>>)
        %dma_wait3A_1092 = arith.constant 0 : i32
        %dma_wait3A_1093 = tpu.memref_slice %arg7[%run_scoped3A_559, %dma_wait3A_1092] : memref<2x128xi32, #tpu.memory_space<vmem>> -> memref<1x128xi32, #tpu.memory_space<vmem>>
        %dma_wait3A_1094 = tpu.memref_squeeze %dma_wait3A_1093 : memref<1x128xi32, #tpu.memory_space<vmem>> -> memref<128xi32, #tpu.memory_space<vmem>>
        %dma_wait3A_1095 = tpu.memref_slice %arg4[%add3A_557] : memref<98304xi32, #tpu.memory_space<hbm>> -> memref<128xi32, #tpu.memory_space<hbm>>
        %dma_wait3A_1096 = arith.constant 0 : i32
        %dma_wait3A_1097 = tpu.memref_slice %arg7[%run_scoped3A_559, %dma_wait3A_1096] : memref<2x128xi32, #tpu.memory_space<vmem>> -> memref<1x128xi32, #tpu.memory_space<vmem>>
        %dma_wait3A_1098 = tpu.memref_squeeze %dma_wait3A_1097 : memref<1x128xi32, #tpu.memory_space<vmem>> -> memref<128xi32, #tpu.memory_space<vmem>>
        %dma_wait3A_1099 = tpu.memref_slice %arg4[%add3A_557] : memref<98304xi32, #tpu.memory_space<hbm>> -> memref<128xi32, #tpu.memory_space<hbm>>
        tpu.wait_dma2 semaphore(%run_scoped3A_1083 : memref<!tpu.dma_semaphore, #tpu.memory_space<semaphore_mem>>) src(%dma_wait3A_1099 : memref<128xi32, #tpu.memory_space<hbm>>) dst(%dma_wait3A_1098 : memref<128xi32, #tpu.memory_space<vmem>>)
        tpu.yield
      }) : () -> ()
      %get3A_560 = arith.constant 0 : i32
      %get3A_561 = arith.constant 0 : i32
      %get3A_562 = tpu.memref_slice %arg6[%get3A_560, %get3A_561] : memref<2x128xi32, #tpu.memory_space<vmem>> -> memref<1x128xi32, #tpu.memory_space<vmem>>
      %get3A_563 = tpu.memref_squeeze %get3A_562 : memref<1x128xi32, #tpu.memory_space<vmem>> -> memref<128xi32, #tpu.memory_space<vmem>>
      %get3A_564 = arith.constant 0 : index
      %get3A_565 = tpu.vector_load %get3A_563[%get3A_564] {strides = array<i32>} : memref<128xi32, #tpu.memory_space<vmem>>, vector<16xi32>,
      %get3A_566 = vector.shape_cast %get3A_565 : vector<16xi32> to vector<16xi32>
      %mul3A_567 = arith.constant 4 : i32
      %mul3A_568 = vector.broadcast %mul3A_567 : i32 to vector<16xi32>
      %mul3A_569 = arith.muli %get3A_566, %mul3A_568 : vector<16xi32>
      %get3A_570 = arith.constant 0 : i32
      %get3A_571 = arith.constant 0 : i32
      %get3A_572 = tpu.memref_slice %arg7[%get3A_570, %get3A_571] : memref<2x128xi32, #tpu.memory_space<vmem>> -> memref<1x128xi32, #tpu.memory_space<vmem>>
      %get3A_573 = tpu.memref_squeeze %get3A_572 : memref<1x128xi32, #tpu.memory_space<vmem>> -> memref<128xi32, #tpu.memory_space<vmem>>
      %get3A_574 = arith.constant 0 : index
      %get3A_575 = tpu.vector_load %get3A_573[%get3A_574] {strides = array<i32>} : memref<128xi32, #tpu.memory_space<vmem>>, vector<16xi32>,
      %get3A_576 = vector.shape_cast %get3A_575 : vector<16xi32> to vector<16xi32>
      %add3A_577 = arith.addi %mul3A_569, %get3A_576 : vector<16xi32>
      %swap3A_578 = arith.constant 0 : i32
      %swap3A_579 = arith.constant 0 : i32
      %swap3A_580 = tpu.memref_slice %arg8[%swap3A_578, %swap3A_579] : memref<2x128xi32, #tpu.memory_space<vmem>> -> memref<1x128xi32, #tpu.memory_space<vmem>>
      %swap3A_581 = tpu.memref_squeeze %swap3A_580 : memref<1x128xi32, #tpu.memory_space<vmem>> -> memref<128xi32, #tpu.memory_space<vmem>>
      %swap3A_582 = arith.constant 0 : index
      %swap3A_583 = tpu.vector_load %swap3A_581[%swap3A_582] {strides = array<i32>} : memref<128xi32, #tpu.memory_space<vmem>>, vector<16xi32>,
      %swap3A_584 = vector.shape_cast %swap3A_583 : vector<16xi32> to vector<16xi32>
      %swap3A_585 = vector.shape_cast %add3A_577 : vector<16xi32> to vector<16xi32>
      tpu.vector_store %swap3A_581[%swap3A_582], %swap3A_585 {strides = array<i32>} : memref<128xi32, #tpu.memory_space<vmem>>, vector<16xi32>,
      %get3A_586 = arith.constant 0 : i32
      %get3A_587 = arith.constant 0 : i32
      %get3A_588 = tpu.memref_slice %arg6[%get3A_586, %get3A_587] : memref<2x128xi32, #tpu.memory_space<vmem>> -> memref<1x128xi32, #tpu.memory_space<vmem>>
      %get3A_589 = tpu.memref_squeeze %get3A_588 : memref<1x128xi32, #tpu.memory_space<vmem>> -> memref<128xi32, #tpu.memory_space<vmem>>
      %get3A_590 = arith.constant 16 : index
      %get3A_591 = tpu.vector_load %get3A_589[%get3A_590] {strides = array<i32>} : memref<128xi32, #tpu.memory_space<vmem>>, vector<16xi32>,
      %get3A_592 = vector.shape_cast %get3A_591 : vector<16xi32> to vector<16xi32>
      %mul3A_593 = arith.constant 4 : i32
      %mul3A_594 = vector.broadcast %mul3A_593 : i32 to vector<16xi32>
      %mul3A_595 = arith.muli %get3A_592, %mul3A_594 : vector<16xi32>
      %get3A_596 = arith.constant 0 : i32
      %get3A_597 = arith.constant 0 : i32
      %get3A_598 = tpu.memref_slice %arg7[%get3A_596, %get3A_597] : memref<2x128xi32, #tpu.memory_space<vmem>> -> memref<1x128xi32, #tpu.memory_space<vmem>>
      %get3A_599 = tpu.memref_squeeze %get3A_598 : memref<1x128xi32, #tpu.memory_space<vmem>> -> memref<128xi32, #tpu.memory_space<vmem>>
      %get3A_600 = arith.constant 16 : index
      %get3A_601 = tpu.vector_load %get3A_599[%get3A_600] {strides = array<i32>} : memref<128xi32, #tpu.memory_space<vmem>>, vector<16xi32>,
      %get3A_602 = vector.shape_cast %get3A_601 : vector<16xi32> to vector<16xi32>
      %add3A_603 = arith.addi %mul3A_595, %get3A_602 : vector<16xi32>
      %swap3A_604 = arith.constant 0 : i32
      %swap3A_605 = arith.constant 0 : i32
      %swap3A_606 = tpu.memref_slice %arg8[%swap3A_604, %swap3A_605] : memref<2x128xi32, #tpu.memory_space<vmem>> -> memref<1x128xi32, #tpu.memory_space<vmem>>
      %swap3A_607 = tpu.memref_squeeze %swap3A_606 : memref<1x128xi32, #tpu.memory_space<vmem>> -> memref<128xi32, #tpu.memory_space<vmem>>
      %swap3A_608 = arith.constant 16 : index
      %swap3A_609 = tpu.vector_load %swap3A_607[%swap3A_608] {strides = array<i32>} : memref<128xi32, #tpu.memory_space<vmem>>, vector<16xi32>,
      %swap3A_610 = vector.shape_cast %swap3A_609 : vector<16xi32> to vector<16xi32>
      %swap3A_611 = vector.shape_cast %add3A_603 : vector<16xi32> to vector<16xi32>
      tpu.vector_store %swap3A_607[%swap3A_608], %swap3A_611 {strides = array<i32>} : memref<128xi32, #tpu.memory_space<vmem>>, vector<16xi32>,
      %get3A_612 = arith.constant 0 : i32
      %get3A_613 = arith.constant 0 : i32
      %get3A_614 = tpu.memref_slice %arg6[%get3A_612, %get3A_613] : memref<2x128xi32, #tpu.memory_space<vmem>> -> memref<1x128xi32, #tpu.memory_space<vmem>>
      %get3A_615 = tpu.memref_squeeze %get3A_614 : memref<1x128xi32, #tpu.memory_space<vmem>> -> memref<128xi32, #tpu.memory_space<vmem>>
      %get3A_616 = arith.constant 32 : index
      %get3A_617 = tpu.vector_load %get3A_615[%get3A_616] {strides = array<i32>} : memref<128xi32, #tpu.memory_space<vmem>>, vector<16xi32>,
      %get3A_618 = vector.shape_cast %get3A_617 : vector<16xi32> to vector<16xi32>
      %mul3A_619 = arith.constant 4 : i32
      %mul3A_620 = vector.broadcast %mul3A_619 : i32 to vector<16xi32>
      %mul3A_621 = arith.muli %get3A_618, %mul3A_620 : vector<16xi32>
      %get3A_622 = arith.constant 0 : i32
      %get3A_623 = arith.constant 0 : i32
      %get3A_624 = tpu.memref_slice %arg7[%get3A_622, %get3A_623] : memref<2x128xi32, #tpu.memory_space<vmem>> -> memref<1x128xi32, #tpu.memory_space<vmem>>
      %get3A_625 = tpu.memref_squeeze %get3A_624 : memref<1x128xi32, #tpu.memory_space<vmem>> -> memref<128xi32, #tpu.memory_space<vmem>>
      %get3A_626 = arith.constant 32 : index
      %get3A_627 = tpu.vector_load %get3A_625[%get3A_626] {strides = array<i32>} : memref<128xi32, #tpu.memory_space<vmem>>, vector<16xi32>,
      %get3A_628 = vector.shape_cast %get3A_627 : vector<16xi32> to vector<16xi32>
      %add3A_629 = arith.addi %mul3A_621, %get3A_628 : vector<16xi32>
      %swap3A_630 = arith.constant 0 : i32
      %swap3A_631 = arith.constant 0 : i32
      %swap3A_632 = tpu.memref_slice %arg8[%swap3A_630, %swap3A_631] : memref<2x128xi32, #tpu.memory_space<vmem>> -> memref<1x128xi32, #tpu.memory_space<vmem>>
      %swap3A_633 = tpu.memref_squeeze %swap3A_632 : memref<1x128xi32, #tpu.memory_space<vmem>> -> memref<128xi32, #tpu.memory_space<vmem>>
      %swap3A_634 = arith.constant 32 : index
      %swap3A_635 = tpu.vector_load %swap3A_633[%swap3A_634] {strides = array<i32>} : memref<128xi32, #tpu.memory_space<vmem>>, vector<16xi32>,
      %swap3A_636 = vector.shape_cast %swap3A_635 : vector<16xi32> to vector<16xi32>
      %swap3A_637 = vector.shape_cast %add3A_629 : vector<16xi32> to vector<16xi32>
      tpu.vector_store %swap3A_633[%swap3A_634], %swap3A_637 {strides = array<i32>} : memref<128xi32, #tpu.memory_space<vmem>>, vector<16xi32>,
      %get3A_638 = arith.constant 0 : i32
      %get3A_639 = arith.constant 0 : i32
      %get3A_640 = tpu.memref_slice %arg6[%get3A_638, %get3A_639] : memref<2x128xi32, #tpu.memory_space<vmem>> -> memref<1x128xi32, #tpu.memory_space<vmem>>
      %get3A_641 = tpu.memref_squeeze %get3A_640 : memref<1x128xi32, #tpu.memory_space<vmem>> -> memref<128xi32, #tpu.memory_space<vmem>>
      %get3A_642 = arith.constant 48 : index
      %get3A_643 = tpu.vector_load %get3A_641[%get3A_642] {strides = array<i32>} : memref<128xi32, #tpu.memory_space<vmem>>, vector<16xi32>,
      %get3A_644 = vector.shape_cast %get3A_643 : vector<16xi32> to vector<16xi32>
      %mul3A_645 = arith.constant 4 : i32
      %mul3A_646 = vector.broadcast %mul3A_645 : i32 to vector<16xi32>
      %mul3A_647 = arith.muli %get3A_644, %mul3A_646 : vector<16xi32>
      %get3A_648 = arith.constant 0 : i32
      %get3A_649 = arith.constant 0 : i32
      %get3A_650 = tpu.memref_slice %arg7[%get3A_648, %get3A_649] : memref<2x128xi32, #tpu.memory_space<vmem>> -> memref<1x128xi32, #tpu.memory_space<vmem>>
      %get3A_651 = tpu.memref_squeeze %get3A_650 : memref<1x128xi32, #tpu.memory_space<vmem>> -> memref<128xi32, #tpu.memory_space<vmem>>
      %get3A_652 = arith.constant 48 : index
      %get3A_653 = tpu.vector_load %get3A_651[%get3A_652] {strides = array<i32>} : memref<128xi32, #tpu.memory_space<vmem>>, vector<16xi32>,
      %get3A_654 = vector.shape_cast %get3A_653 : vector<16xi32> to vector<16xi32>
      %add3A_655 = arith.addi %mul3A_647, %get3A_654 : vector<16xi32>
      %swap3A_656 = arith.constant 0 : i32
      %swap3A_657 = arith.constant 0 : i32
      %swap3A_658 = tpu.memref_slice %arg8[%swap3A_656, %swap3A_657] : memref<2x128xi32, #tpu.memory_space<vmem>> -> memref<1x128xi32, #tpu.memory_space<vmem>>
      %swap3A_659 = tpu.memref_squeeze %swap3A_658 : memref<1x128xi32, #tpu.memory_space<vmem>> -> memref<128xi32, #tpu.memory_space<vmem>>
      %swap3A_660 = arith.constant 48 : index
      %swap3A_661 = tpu.vector_load %swap3A_659[%swap3A_660] {strides = array<i32>} : memref<128xi32, #tpu.memory_space<vmem>>, vector<16xi32>,
      %swap3A_662 = vector.shape_cast %swap3A_661 : vector<16xi32> to vector<16xi32>
      %swap3A_663 = vector.shape_cast %add3A_655 : vector<16xi32> to vector<16xi32>
      tpu.vector_store %swap3A_659[%swap3A_660], %swap3A_663 {strides = array<i32>} : memref<128xi32, #tpu.memory_space<vmem>>, vector<16xi32>,
      %get3A_664 = arith.constant 0 : i32
      %get3A_665 = arith.constant 0 : i32
      %get3A_666 = tpu.memref_slice %arg6[%get3A_664, %get3A_665] : memref<2x128xi32, #tpu.memory_space<vmem>> -> memref<1x128xi32, #tpu.memory_space<vmem>>
      %get3A_667 = tpu.memref_squeeze %get3A_666 : memref<1x128xi32, #tpu.memory_space<vmem>> -> memref<128xi32, #tpu.memory_space<vmem>>
      %get3A_668 = arith.constant 64 : index
      %get3A_669 = tpu.vector_load %get3A_667[%get3A_668] {strides = array<i32>} : memref<128xi32, #tpu.memory_space<vmem>>, vector<16xi32>,
      %get3A_670 = vector.shape_cast %get3A_669 : vector<16xi32> to vector<16xi32>
      %mul3A_671 = arith.constant 4 : i32
      %mul3A_672 = vector.broadcast %mul3A_671 : i32 to vector<16xi32>
      %mul3A_673 = arith.muli %get3A_670, %mul3A_672 : vector<16xi32>
      %get3A_674 = arith.constant 0 : i32
      %get3A_675 = arith.constant 0 : i32
      %get3A_676 = tpu.memref_slice %arg7[%get3A_674, %get3A_675] : memref<2x128xi32, #tpu.memory_space<vmem>> -> memref<1x128xi32, #tpu.memory_space<vmem>>
      %get3A_677 = tpu.memref_squeeze %get3A_676 : memref<1x128xi32, #tpu.memory_space<vmem>> -> memref<128xi32, #tpu.memory_space<vmem>>
      %get3A_678 = arith.constant 64 : index
      %get3A_679 = tpu.vector_load %get3A_677[%get3A_678] {strides = array<i32>} : memref<128xi32, #tpu.memory_space<vmem>>, vector<16xi32>,
      %get3A_680 = vector.shape_cast %get3A_679 : vector<16xi32> to vector<16xi32>
      %add3A_681 = arith.addi %mul3A_673, %get3A_680 : vector<16xi32>
      %swap3A_682 = arith.constant 0 : i32
      %swap3A_683 = arith.constant 0 : i32
      %swap3A_684 = tpu.memref_slice %arg8[%swap3A_682, %swap3A_683] : memref<2x128xi32, #tpu.memory_space<vmem>> -> memref<1x128xi32, #tpu.memory_space<vmem>>
      %swap3A_685 = tpu.memref_squeeze %swap3A_684 : memref<1x128xi32, #tpu.memory_space<vmem>> -> memref<128xi32, #tpu.memory_space<vmem>>
      %swap3A_686 = arith.constant 64 : index
      %swap3A_687 = tpu.vector_load %swap3A_685[%swap3A_686] {strides = array<i32>} : memref<128xi32, #tpu.memory_space<vmem>>, vector<16xi32>,
      %swap3A_688 = vector.shape_cast %swap3A_687 : vector<16xi32> to vector<16xi32>
      %swap3A_689 = vector.shape_cast %add3A_681 : vector<16xi32> to vector<16xi32>
      tpu.vector_store %swap3A_685[%swap3A_686], %swap3A_689 {strides = array<i32>} : memref<128xi32, #tpu.memory_space<vmem>>, vector<16xi32>,
      %get3A_690 = arith.constant 0 : i32
      %get3A_691 = arith.constant 0 : i32
      %get3A_692 = tpu.memref_slice %arg6[%get3A_690, %get3A_691] : memref<2x128xi32, #tpu.memory_space<vmem>> -> memref<1x128xi32, #tpu.memory_space<vmem>>
      %get3A_693 = tpu.memref_squeeze %get3A_692 : memref<1x128xi32, #tpu.memory_space<vmem>> -> memref<128xi32, #tpu.memory_space<vmem>>
      %get3A_694 = arith.constant 80 : index
      %get3A_695 = tpu.vector_load %get3A_693[%get3A_694] {strides = array<i32>} : memref<128xi32, #tpu.memory_space<vmem>>, vector<16xi32>,
      %get3A_696 = vector.shape_cast %get3A_695 : vector<16xi32> to vector<16xi32>
      %mul3A_697 = arith.constant 4 : i32
      %mul3A_698 = vector.broadcast %mul3A_697 : i32 to vector<16xi32>
      %mul3A_699 = arith.muli %get3A_696, %mul3A_698 : vector<16xi32>
      %get3A_700 = arith.constant 0 : i32
      %get3A_701 = arith.constant 0 : i32
      %get3A_702 = tpu.memref_slice %arg7[%get3A_700, %get3A_701] : memref<2x128xi32, #tpu.memory_space<vmem>> -> memref<1x128xi32, #tpu.memory_space<vmem>>
      %get3A_703 = tpu.memref_squeeze %get3A_702 : memref<1x128xi32, #tpu.memory_space<vmem>> -> memref<128xi32, #tpu.memory_space<vmem>>
      %get3A_704 = arith.constant 80 : index
      %get3A_705 = tpu.vector_load %get3A_703[%get3A_704] {strides = array<i32>} : memref<128xi32, #tpu.memory_space<vmem>>, vector<16xi32>,
      %get3A_706 = vector.shape_cast %get3A_705 : vector<16xi32> to vector<16xi32>
      %add3A_707 = arith.addi %mul3A_699, %get3A_706 : vector<16xi32>
      %swap3A_708 = arith.constant 0 : i32
      %swap3A_709 = arith.constant 0 : i32
      %swap3A_710 = tpu.memref_slice %arg8[%swap3A_708, %swap3A_709] : memref<2x128xi32, #tpu.memory_space<vmem>> -> memref<1x128xi32, #tpu.memory_space<vmem>>
      %swap3A_711 = tpu.memref_squeeze %swap3A_710 : memref<1x128xi32, #tpu.memory_space<vmem>> -> memref<128xi32, #tpu.memory_space<vmem>>
      %swap3A_712 = arith.constant 80 : index
      %swap3A_713 = tpu.vector_load %swap3A_711[%swap3A_712] {strides = array<i32>} : memref<128xi32, #tpu.memory_space<vmem>>, vector<16xi32>,
      %swap3A_714 = vector.shape_cast %swap3A_713 : vector<16xi32> to vector<16xi32>
      %swap3A_715 = vector.shape_cast %add3A_707 : vector<16xi32> to vector<16xi32>
      tpu.vector_store %swap3A_711[%swap3A_712], %swap3A_715 {strides = array<i32>} : memref<128xi32, #tpu.memory_space<vmem>>, vector<16xi32>,
      %get3A_716 = arith.constant 0 : i32
      %get3A_717 = arith.constant 0 : i32
      %get3A_718 = tpu.memref_slice %arg6[%get3A_716, %get3A_717] : memref<2x128xi32, #tpu.memory_space<vmem>> -> memref<1x128xi32, #tpu.memory_space<vmem>>
      %get3A_719 = tpu.memref_squeeze %get3A_718 : memref<1x128xi32, #tpu.memory_space<vmem>> -> memref<128xi32, #tpu.memory_space<vmem>>
      %get3A_720 = arith.constant 96 : index
      %get3A_721 = tpu.vector_load %get3A_719[%get3A_720] {strides = array<i32>} : memref<128xi32, #tpu.memory_space<vmem>>, vector<16xi32>,
      %get3A_722 = vector.shape_cast %get3A_721 : vector<16xi32> to vector<16xi32>
      %mul3A_723 = arith.constant 4 : i32
      %mul3A_724 = vector.broadcast %mul3A_723 : i32 to vector<16xi32>
      %mul3A_725 = arith.muli %get3A_722, %mul3A_724 : vector<16xi32>
      %get3A_726 = arith.constant 0 : i32
      %get3A_727 = arith.constant 0 : i32
      %get3A_728 = tpu.memref_slice %arg7[%get3A_726, %get3A_727] : memref<2x128xi32, #tpu.memory_space<vmem>> -> memref<1x128xi32, #tpu.memory_space<vmem>>
      %get3A_729 = tpu.memref_squeeze %get3A_728 : memref<1x128xi32, #tpu.memory_space<vmem>> -> memref<128xi32, #tpu.memory_space<vmem>>
      %get3A_730 = arith.constant 96 : index
      %get3A_731 = tpu.vector_load %get3A_729[%get3A_730] {strides = array<i32>} : memref<128xi32, #tpu.memory_space<vmem>>, vector<16xi32>,
      %get3A_732 = vector.shape_cast %get3A_731 : vector<16xi32> to vector<16xi32>
      %add3A_733 = arith.addi %mul3A_725, %get3A_732 : vector<16xi32>
      %swap3A_734 = arith.constant 0 : i32
      %swap3A_735 = arith.constant 0 : i32
      %swap3A_736 = tpu.memref_slice %arg8[%swap3A_734, %swap3A_735] : memref<2x128xi32, #tpu.memory_space<vmem>> -> memref<1x128xi32, #tpu.memory_space<vmem>>
      %swap3A_737 = tpu.memref_squeeze %swap3A_736 : memref<1x128xi32, #tpu.memory_space<vmem>> -> memref<128xi32, #tpu.memory_space<vmem>>
      %swap3A_738 = arith.constant 96 : index
      %swap3A_739 = tpu.vector_load %swap3A_737[%swap3A_738] {strides = array<i32>} : memref<128xi32, #tpu.memory_space<vmem>>, vector<16xi32>,
      %swap3A_740 = vector.shape_cast %swap3A_739 : vector<16xi32> to vector<16xi32>
      %swap3A_741 = vector.shape_cast %add3A_733 : vector<16xi32> to vector<16xi32>
      tpu.vector_store %swap3A_737[%swap3A_738], %swap3A_741 {strides = array<i32>} : memref<128xi32, #tpu.memory_space<vmem>>, vector<16xi32>,
      %get3A_742 = arith.constant 0 : i32
      %get3A_743 = arith.constant 0 : i32
      %get3A_744 = tpu.memref_slice %arg6[%get3A_742, %get3A_743] : memref<2x128xi32, #tpu.memory_space<vmem>> -> memref<1x128xi32, #tpu.memory_space<vmem>>
      %get3A_745 = tpu.memref_squeeze %get3A_744 : memref<1x128xi32, #tpu.memory_space<vmem>> -> memref<128xi32, #tpu.memory_space<vmem>>
      %get3A_746 = arith.constant 112 : index
      %get3A_747 = tpu.vector_load %get3A_745[%get3A_746] {strides = array<i32>} : memref<128xi32, #tpu.memory_space<vmem>>, vector<16xi32>,
      %get3A_748 = vector.shape_cast %get3A_747 : vector<16xi32> to vector<16xi32>
      %mul3A_749 = arith.constant 4 : i32
      %mul3A_750 = vector.broadcast %mul3A_749 : i32 to vector<16xi32>
      %mul3A_751 = arith.muli %get3A_748, %mul3A_750 : vector<16xi32>
      %get3A_752 = arith.constant 0 : i32
      %get3A_753 = arith.constant 0 : i32
      %get3A_754 = tpu.memref_slice %arg7[%get3A_752, %get3A_753] : memref<2x128xi32, #tpu.memory_space<vmem>> -> memref<1x128xi32, #tpu.memory_space<vmem>>
      %get3A_755 = tpu.memref_squeeze %get3A_754 : memref<1x128xi32, #tpu.memory_space<vmem>> -> memref<128xi32, #tpu.memory_space<vmem>>
      %get3A_756 = arith.constant 112 : index
      %get3A_757 = tpu.vector_load %get3A_755[%get3A_756] {strides = array<i32>} : memref<128xi32, #tpu.memory_space<vmem>>, vector<16xi32>,
      %get3A_758 = vector.shape_cast %get3A_757 : vector<16xi32> to vector<16xi32>
      %add3A_759 = arith.addi %mul3A_751, %get3A_758 : vector<16xi32>
      %swap3A_760 = arith.constant 0 : i32
      %swap3A_761 = arith.constant 0 : i32
      %swap3A_762 = tpu.memref_slice %arg8[%swap3A_760, %swap3A_761] : memref<2x128xi32, #tpu.memory_space<vmem>> -> memref<1x128xi32, #tpu.memory_space<vmem>>
      %swap3A_763 = tpu.memref_squeeze %swap3A_762 : memref<1x128xi32, #tpu.memory_space<vmem>> -> memref<128xi32, #tpu.memory_space<vmem>>
      %swap3A_764 = arith.constant 112 : index
      %swap3A_765 = tpu.vector_load %swap3A_763[%swap3A_764] {strides = array<i32>} : memref<128xi32, #tpu.memory_space<vmem>>, vector<16xi32>,
      %swap3A_766 = vector.shape_cast %swap3A_765 : vector<16xi32> to vector<16xi32>
      %swap3A_767 = vector.shape_cast %add3A_759 : vector<16xi32> to vector<16xi32>
      tpu.vector_store %swap3A_763[%swap3A_764], %swap3A_767 {strides = array<i32>} : memref<128xi32, #tpu.memory_space<vmem>>, vector<16xi32>,
      %dma_start3A_768 = arith.constant 0 : i32
      %dma_start3A_769 = arith.constant 0 : i32
      %dma_start3A_770 = arith.constant 0 : i32
      %dma_start3A_771 = arith.constant 0 : i32
      %dma_start3A_772 = tpu.memref_slice %arg9[%dma_start3A_769, %dma_start3A_770, %dma_start3A_771] : memref<2x128x256xf32, #tpu.memory_space<vmem>> -> memref<1x128x256xf32, #tpu.memory_space<vmem>>
      %dma_start3A_773 = tpu.memref_squeeze %dma_start3A_772 : memref<1x128x256xf32, #tpu.memory_space<vmem>> -> memref<128x256xf32, #tpu.memory_space<vmem>>
      %dma_start3A_774 = arith.constant 0 : i32
      %dma_start3A_775 = tpu.memref_slice %arg8[%dma_start3A_768, %dma_start3A_774] : memref<2x128xi32, #tpu.memory_space<vmem>> -> memref<1x128xi32, #tpu.memory_space<vmem>>
      %dma_start3A_776 = tpu.memref_squeeze %dma_start3A_775 : memref<1x128xi32, #tpu.memory_space<vmem>> -> memref<128xi32, #tpu.memory_space<vmem>>
      %dma_start3A_777 = arith.constant 0 : i32
      %dma_start3A_778 = arith.constant 0 : i32
      %dma_start3A_779 = tpu.memref_slice %arg2[%dma_start3A_777, %dma_start3A_778] : memref<320x256xf32, #tpu.memory_space<hbm>> -> memref<320x256xf32, #tpu.memory_space<hbm>>
      tpu.enqueue_indirect_dma source(%dma_start3A_779 : memref<320x256xf32, #tpu.memory_space<hbm>>) target(%dma_start3A_773 : memref<128x256xf32, #tpu.memory_space<vmem>>) offsets(%dma_start3A_776 : memref<128xi32, #tpu.memory_space<vmem>>) semaphore(%arg10 : memref<!tpu.dma_semaphore, #tpu.memory_space<semaphore_mem>>)
      %sub3A_780 = arith.constant 1 : i32
      %sub3A_781 = arith.subi %mul3A_537, %sub3A_780 : i32
      %mul3A_782 = arith.constant 128 : i32
      %mul3A_783 = arith.muli %sub3A_781, %mul3A_782 : i32
      %add3A_784 = arith.addi %mul3A_2, %mul3A_783 : i32
      %dma_wait3A_785 = arith.constant 1 : i32
      %dma_wait3A_786 = arith.constant 1 : i32
      %dma_wait3A_787 = arith.constant 0 : i32
      %dma_wait3A_788 = arith.constant 0 : i32
      %dma_wait3A_789 = tpu.memref_slice %arg9[%dma_wait3A_786, %dma_wait3A_787, %dma_wait3A_788] : memref<2x128x256xf32, #tpu.memory_space<vmem>> -> memref<1x128x256xf32, #tpu.memory_space<vmem>>
      %dma_wait3A_790 = tpu.memref_squeeze %dma_wait3A_789 : memref<1x128x256xf32, #tpu.memory_space<vmem>> -> memref<128x256xf32, #tpu.memory_space<vmem>>
      %dma_wait3A_791 = arith.constant 0 : i32
      %dma_wait3A_792 = tpu.memref_slice %arg8[%dma_wait3A_785, %dma_wait3A_791] : memref<2x128xi32, #tpu.memory_space<vmem>> -> memref<1x128xi32, #tpu.memory_space<vmem>>
      %dma_wait3A_793 = tpu.memref_squeeze %dma_wait3A_792 : memref<1x128xi32, #tpu.memory_space<vmem>> -> memref<128xi32, #tpu.memory_space<vmem>>
      %dma_wait3A_794 = arith.constant 0 : i32
      %dma_wait3A_795 = arith.constant 0 : i32
      %dma_wait3A_796 = tpu.memref_slice %arg2[%dma_wait3A_794, %dma_wait3A_795] : memref<320x256xf32, #tpu.memory_space<hbm>> -> memref<320x256xf32, #tpu.memory_space<hbm>>
      tpu.wait_indirect_dma semaphore(%arg11 : memref<!tpu.dma_semaphore, #tpu.memory_space<semaphore_mem>>) src(%dma_wait3A_796 : memref<320x256xf32, #tpu.memory_space<hbm>>) dst(%dma_wait3A_790 : memref<128x256xf32, #tpu.memory_space<vmem>>)
      %dma_start3A_797 = arith.constant 1 : i32
      %dma_start3A_798 = arith.constant 0 : i32
      %dma_start3A_799 = arith.constant 0 : i32
      %dma_start3A_800 = tpu.memref_slice %arg9[%dma_start3A_797, %dma_start3A_798, %dma_start3A_799] : memref<2x128x256xf32, #tpu.memory_space<vmem>> -> memref<1x128x256xf32, #tpu.memory_space<vmem>>
      %dma_start3A_801 = tpu.memref_squeeze %dma_start3A_800 : memref<1x128x256xf32, #tpu.memory_space<vmem>> -> memref<128x256xf32, #tpu.memory_space<vmem>>
      %dma_start3A_802 = arith.constant 0 : i32
      %dma_start3A_803 = tpu.memref_slice %arg5[%add3A_784, %dma_start3A_802] : memref<819200x256xf32, #tpu.memory_space<hbm>> -> memref<128x256xf32, #tpu.memory_space<hbm>>
      %dma_start3A_804 = arith.constant 0 : i32
      %dma_start3A_805 = tpu.memref_slice %arg5[%add3A_784, %dma_start3A_804] : memref<819200x256xf32, #tpu.memory_space<hbm>> -> memref<128x256xf32, #tpu.memory_space<hbm>>
      %dma_start3A_806 = arith.constant 0 : i32
      %dma_start3A_807 = arith.constant 0 : i32
      %dma_start3A_808 = tpu.memref_slice %arg9[%dma_start3A_797, %dma_start3A_806, %dma_start3A_807] : memref<2x128x256xf32, #tpu.memory_space<vmem>> -> memref<1x128x256xf32, #tpu.memory_space<vmem>>
      %dma_start3A_809 = tpu.memref_squeeze %dma_start3A_808 : memref<1x128x256xf32, #tpu.memory_space<vmem>> -> memref<128x256xf32, #tpu.memory_space<vmem>>
      tpu.enqueue_dma source(%dma_start3A_809 : memref<128x256xf32, #tpu.memory_space<vmem>>) target(%dma_start3A_805 : memref<128x256xf32, #tpu.memory_space<hbm>>) target_semaphore(%arg13 : memref<!tpu.dma_semaphore, #tpu.memory_space<semaphore_mem>>)
      %sub3A_810 = arith.constant 1 : i32
      %sub3A_811 = arith.subi %mul3A_537, %sub3A_810 : i32
      %mul3A_812 = arith.constant 128 : i32
      %mul3A_813 = arith.muli %sub3A_811, %mul3A_812 : i32
      %add3A_814 = arith.addi %mul3A_2, %mul3A_813 : i32
      %dma_wait3A_815 = arith.constant 1 : i32
      %dma_wait3A_816 = arith.constant 0 : i32
      %dma_wait3A_817 = arith.constant 0 : i32
      %dma_wait3A_818 = tpu.memref_slice %arg9[%dma_wait3A_815, %dma_wait3A_816, %dma_wait3A_817] : memref<2x128x256xf32, #tpu.memory_space<vmem>> -> memref<1x128x256xf32, #tpu.memory_space<vmem>>
      %dma_wait3A_819 = tpu.memref_squeeze %dma_wait3A_818 : memref<1x128x256xf32, #tpu.memory_space<vmem>> -> memref<128x256xf32, #tpu.memory_space<vmem>>
      %dma_wait3A_820 = arith.constant 0 : i32
      %dma_wait3A_821 = tpu.memref_slice %arg5[%add3A_814, %dma_wait3A_820] : memref<819200x256xf32, #tpu.memory_space<hbm>> -> memref<128x256xf32, #tpu.memory_space<hbm>>
      %dma_wait3A_822 = arith.constant 0 : i32
      %dma_wait3A_823 = tpu.memref_slice %arg5[%add3A_814, %dma_wait3A_822] : memref<819200x256xf32, #tpu.memory_space<hbm>> -> memref<128x256xf32, #tpu.memory_space<hbm>>
      %dma_wait3A_824 = arith.constant 0 : i32
      %dma_wait3A_825 = arith.constant 0 : i32
      %dma_wait3A_826 = tpu.memref_slice %arg9[%dma_wait3A_815, %dma_wait3A_824, %dma_wait3A_825] : memref<2x128x256xf32, #tpu.memory_space<vmem>> -> memref<1x128x256xf32, #tpu.memory_space<vmem>>
      %dma_wait3A_827 = tpu.memref_squeeze %dma_wait3A_826 : memref<1x128x256xf32, #tpu.memory_space<vmem>> -> memref<128x256xf32, #tpu.memory_space<vmem>>
      tpu.wait_dma2 semaphore(%arg13 : memref<!tpu.dma_semaphore, #tpu.memory_space<semaphore_mem>>) src(%dma_wait3A_827 : memref<128x256xf32, #tpu.memory_space<vmem>>) dst(%dma_wait3A_823 : memref<128x256xf32, #tpu.memory_space<hbm>>)
      %add3A_828 = arith.constant 1 : i32
      %add3A_829 = arith.addi %mul3A_537, %add3A_828 : i32
      %mul3A_830 = arith.constant 128 : i32
      %mul3A_831 = arith.muli %add3A_829, %mul3A_830 : i32
      %add3A_832 = arith.addi %mul3A_2, %mul3A_831 : i32
      %run_scoped3A_833 = arith.constant 1 : i32
      "tpu.region"() ({
        %run_scoped3A_1083 = tpu.sem_alloc : memref<!tpu.dma_semaphore, #tpu.memory_space<semaphore_mem>>
        %dma_start3A_1084 = arith.constant 0 : i32
        %dma_start3A_1085 = tpu.memref_slice %arg6[%run_scoped3A_833, %dma_start3A_1084] : memref<2x128xi32, #tpu.memory_space<vmem>> -> memref<1x128xi32, #tpu.memory_space<vmem>>
        %dma_start3A_1086 = tpu.memref_squeeze %dma_start3A_1085 : memref<1x128xi32, #tpu.memory_space<vmem>> -> memref<128xi32, #tpu.memory_space<vmem>>
        %dma_start3A_1087 = tpu.memref_slice %arg3[%add3A_832] : memref<98304xi32, #tpu.memory_space<hbm>> -> memref<128xi32, #tpu.memory_space<hbm>>
        %dma_start3A_1088 = arith.constant 0 : i32
        %dma_start3A_1089 = tpu.memref_slice %arg6[%run_scoped3A_833, %dma_start3A_1088] : memref<2x128xi32, #tpu.memory_space<vmem>> -> memref<1x128xi32, #tpu.memory_space<vmem>>
        %dma_start3A_1090 = tpu.memref_squeeze %dma_start3A_1089 : memref<1x128xi32, #tpu.memory_space<vmem>> -> memref<128xi32, #tpu.memory_space<vmem>>
        %dma_start3A_1091 = tpu.memref_slice %arg3[%add3A_832] : memref<98304xi32, #tpu.memory_space<hbm>> -> memref<128xi32, #tpu.memory_space<hbm>>
        tpu.enqueue_dma source(%dma_start3A_1091 : memref<128xi32, #tpu.memory_space<hbm>>) target(%dma_start3A_1090 : memref<128xi32, #tpu.memory_space<vmem>>) target_semaphore(%run_scoped3A_1083 : memref<!tpu.dma_semaphore, #tpu.memory_space<semaphore_mem>>)
        %dma_wait3A_1092 = arith.constant 0 : i32
        %dma_wait3A_1093 = tpu.memref_slice %arg6[%run_scoped3A_833, %dma_wait3A_1092] : memref<2x128xi32, #tpu.memory_space<vmem>> -> memref<1x128xi32, #tpu.memory_space<vmem>>
        %dma_wait3A_1094 = tpu.memref_squeeze %dma_wait3A_1093 : memref<1x128xi32, #tpu.memory_space<vmem>> -> memref<128xi32, #tpu.memory_space<vmem>>
        %dma_wait3A_1095 = tpu.memref_slice %arg3[%add3A_832] : memref<98304xi32, #tpu.memory_space<hbm>> -> memref<128xi32, #tpu.memory_space<hbm>>
        %dma_wait3A_1096 = arith.constant 0 : i32
        %dma_wait3A_1097 = tpu.memref_slice %arg6[%run_scoped3A_833, %dma_wait3A_1096] : memref<2x128xi32, #tpu.memory_space<vmem>> -> memref<1x128xi32, #tpu.memory_space<vmem>>
        %dma_wait3A_1098 = tpu.memref_squeeze %dma_wait3A_1097 : memref<1x128xi32, #tpu.memory_space<vmem>> -> memref<128xi32, #tpu.memory_space<vmem>>
        %dma_wait3A_1099 = tpu.memref_slice %arg3[%add3A_832] : memref<98304xi32, #tpu.memory_space<hbm>> -> memref<128xi32, #tpu.memory_space<hbm>>
        tpu.wait_dma2 semaphore(%run_scoped3A_1083 : memref<!tpu.dma_semaphore, #tpu.memory_space<semaphore_mem>>) src(%dma_wait3A_1099 : memref<128xi32, #tpu.memory_space<hbm>>) dst(%dma_wait3A_1098 : memref<128xi32, #tpu.memory_space<vmem>>)
        tpu.yield
      }) : () -> ()
      %run_scoped3A_834 = arith.constant 1 : i32
      "tpu.region"() ({
        %run_scoped3A_1083 = tpu.sem_alloc : memref<!tpu.dma_semaphore, #tpu.memory_space<semaphore_mem>>
        %dma_start3A_1084 = arith.constant 0 : i32
        %dma_start3A_1085 = tpu.memref_slice %arg7[%run_scoped3A_834, %dma_start3A_1084] : memref<2x128xi32, #tpu.memory_space<vmem>> -> memref<1x128xi32, #tpu.memory_space<vmem>>
        %dma_start3A_1086 = tpu.memref_squeeze %dma_start3A_1085 : memref<1x128xi32, #tpu.memory_space<vmem>> -> memref<128xi32, #tpu.memory_space<vmem>>
        %dma_start3A_1087 = tpu.memref_slice %arg4[%add3A_832] : memref<98304xi32, #tpu.memory_space<hbm>> -> memref<128xi32, #tpu.memory_space<hbm>>
        %dma_start3A_1088 = arith.constant 0 : i32
        %dma_start3A_1089 = tpu.memref_slice %arg7[%run_scoped3A_834, %dma_start3A_1088] : memref<2x128xi32, #tpu.memory_space<vmem>> -> memref<1x128xi32, #tpu.memory_space<vmem>>
        %dma_start3A_1090 = tpu.memref_squeeze %dma_start3A_1089 : memref<1x128xi32, #tpu.memory_space<vmem>> -> memref<128xi32, #tpu.memory_space<vmem>>
        %dma_start3A_1091 = tpu.memref_slice %arg4[%add3A_832] : memref<98304xi32, #tpu.memory_space<hbm>> -> memref<128xi32, #tpu.memory_space<hbm>>
        tpu.enqueue_dma source(%dma_start3A_1091 : memref<128xi32, #tpu.memory_space<hbm>>) target(%dma_start3A_1090 : memref<128xi32, #tpu.memory_space<vmem>>) target_semaphore(%run_scoped3A_1083 : memref<!tpu.dma_semaphore, #tpu.memory_space<semaphore_mem>>)
        %dma_wait3A_1092 = arith.constant 0 : i32
        %dma_wait3A_1093 = tpu.memref_slice %arg7[%run_scoped3A_834, %dma_wait3A_1092] : memref<2x128xi32, #tpu.memory_space<vmem>> -> memref<1x128xi32, #tpu.memory_space<vmem>>
        %dma_wait3A_1094 = tpu.memref_squeeze %dma_wait3A_1093 : memref<1x128xi32, #tpu.memory_space<vmem>> -> memref<128xi32, #tpu.memory_space<vmem>>
        %dma_wait3A_1095 = tpu.memref_slice %arg4[%add3A_832] : memref<98304xi32, #tpu.memory_space<hbm>> -> memref<128xi32, #tpu.memory_space<hbm>>
        %dma_wait3A_1096 = arith.constant 0 : i32
        %dma_wait3A_1097 = tpu.memref_slice %arg7[%run_scoped3A_834, %dma_wait3A_1096] : memref<2x128xi32, #tpu.memory_space<vmem>> -> memref<1x128xi32, #tpu.memory_space<vmem>>
        %dma_wait3A_1098 = tpu.memref_squeeze %dma_wait3A_1097 : memref<1x128xi32, #tpu.memory_space<vmem>> -> memref<128xi32, #tpu.memory_space<vmem>>
        %dma_wait3A_1099 = tpu.memref_slice %arg4[%add3A_832] : memref<98304xi32, #tpu.memory_space<hbm>> -> memref<128xi32, #tpu.memory_space<hbm>>
        tpu.wait_dma2 semaphore(%run_scoped3A_1083 : memref<!tpu.dma_semaphore, #tpu.memory_space<semaphore_mem>>) src(%dma_wait3A_1099 : memref<128xi32, #tpu.memory_space<hbm>>) dst(%dma_wait3A_1098 : memref<128xi32, #tpu.memory_space<vmem>>)
        tpu.yield
      }) : () -> ()
      %get3A_835 = arith.constant 1 : i32
      %get3A_836 = arith.constant 0 : i32
      %get3A_837 = tpu.memref_slice %arg6[%get3A_835, %get3A_836] : memref<2x128xi32, #tpu.memory_space<vmem>> -> memref<1x128xi32, #tpu.memory_space<vmem>>
      %get3A_838 = tpu.memref_squeeze %get3A_837 : memref<1x128xi32, #tpu.memory_space<vmem>> -> memref<128xi32, #tpu.memory_space<vmem>>
      %get3A_839 = arith.constant 0 : index
      %get3A_840 = tpu.vector_load %get3A_838[%get3A_839] {strides = array<i32>} : memref<128xi32, #tpu.memory_space<vmem>>, vector<16xi32>,
      %get3A_841 = vector.shape_cast %get3A_840 : vector<16xi32> to vector<16xi32>
      %mul3A_842 = arith.constant 4 : i32
      %mul3A_843 = vector.broadcast %mul3A_842 : i32 to vector<16xi32>
      %mul3A_844 = arith.muli %get3A_841, %mul3A_843 : vector<16xi32>
      %get3A_845 = arith.constant 1 : i32
      %get3A_846 = arith.constant 0 : i32
      %get3A_847 = tpu.memref_slice %arg7[%get3A_845, %get3A_846] : memref<2x128xi32, #tpu.memory_space<vmem>> -> memref<1x128xi32, #tpu.memory_space<vmem>>
      %get3A_848 = tpu.memref_squeeze %get3A_847 : memref<1x128xi32, #tpu.memory_space<vmem>> -> memref<128xi32, #tpu.memory_space<vmem>>
      %get3A_849 = arith.constant 0 : index
      %get3A_850 = tpu.vector_load %get3A_848[%get3A_849] {strides = array<i32>} : memref<128xi32, #tpu.memory_space<vmem>>, vector<16xi32>,
      %get3A_851 = vector.shape_cast %get3A_850 : vector<16xi32> to vector<16xi32>
      %add3A_852 = arith.addi %mul3A_844, %get3A_851 : vector<16xi32>
      %swap3A_853 = arith.constant 1 : i32
      %swap3A_854 = arith.constant 0 : i32
      %swap3A_855 = tpu.memref_slice %arg8[%swap3A_853, %swap3A_854] : memref<2x128xi32, #tpu.memory_space<vmem>> -> memref<1x128xi32, #tpu.memory_space<vmem>>
      %swap3A_856 = tpu.memref_squeeze %swap3A_855 : memref<1x128xi32, #tpu.memory_space<vmem>> -> memref<128xi32, #tpu.memory_space<vmem>>
      %swap3A_857 = arith.constant 0 : index
      %swap3A_858 = tpu.vector_load %swap3A_856[%swap3A_857] {strides = array<i32>} : memref<128xi32, #tpu.memory_space<vmem>>, vector<16xi32>,
      %swap3A_859 = vector.shape_cast %swap3A_858 : vector<16xi32> to vector<16xi32>
      %swap3A_860 = vector.shape_cast %add3A_852 : vector<16xi32> to vector<16xi32>
      tpu.vector_store %swap3A_856[%swap3A_857], %swap3A_860 {strides = array<i32>} : memref<128xi32, #tpu.memory_space<vmem>>, vector<16xi32>,
      %get3A_861 = arith.constant 1 : i32
      %get3A_862 = arith.constant 0 : i32
      %get3A_863 = tpu.memref_slice %arg6[%get3A_861, %get3A_862] : memref<2x128xi32, #tpu.memory_space<vmem>> -> memref<1x128xi32, #tpu.memory_space<vmem>>
      %get3A_864 = tpu.memref_squeeze %get3A_863 : memref<1x128xi32, #tpu.memory_space<vmem>> -> memref<128xi32, #tpu.memory_space<vmem>>
      %get3A_865 = arith.constant 16 : index
      %get3A_866 = tpu.vector_load %get3A_864[%get3A_865] {strides = array<i32>} : memref<128xi32, #tpu.memory_space<vmem>>, vector<16xi32>,
      %get3A_867 = vector.shape_cast %get3A_866 : vector<16xi32> to vector<16xi32>
      %mul3A_868 = arith.constant 4 : i32
      %mul3A_869 = vector.broadcast %mul3A_868 : i32 to vector<16xi32>
      %mul3A_870 = arith.muli %get3A_867, %mul3A_869 : vector<16xi32>
      %get3A_871 = arith.constant 1 : i32
      %get3A_872 = arith.constant 0 : i32
      %get3A_873 = tpu.memref_slice %arg7[%get3A_871, %get3A_872] : memref<2x128xi32, #tpu.memory_space<vmem>> -> memref<1x128xi32, #tpu.memory_space<vmem>>
      %get3A_874 = tpu.memref_squeeze %get3A_873 : memref<1x128xi32, #tpu.memory_space<vmem>> -> memref<128xi32, #tpu.memory_space<vmem>>
      %get3A_875 = arith.constant 16 : index
      %get3A_876 = tpu.vector_load %get3A_874[%get3A_875] {strides = array<i32>} : memref<128xi32, #tpu.memory_space<vmem>>, vector<16xi32>,
      %get3A_877 = vector.shape_cast %get3A_876 : vector<16xi32> to vector<16xi32>
      %add3A_878 = arith.addi %mul3A_870, %get3A_877 : vector<16xi32>
      %swap3A_879 = arith.constant 1 : i32
      %swap3A_880 = arith.constant 0 : i32
      %swap3A_881 = tpu.memref_slice %arg8[%swap3A_879, %swap3A_880] : memref<2x128xi32, #tpu.memory_space<vmem>> -> memref<1x128xi32, #tpu.memory_space<vmem>>
      %swap3A_882 = tpu.memref_squeeze %swap3A_881 : memref<1x128xi32, #tpu.memory_space<vmem>> -> memref<128xi32, #tpu.memory_space<vmem>>
      %swap3A_883 = arith.constant 16 : index
      %swap3A_884 = tpu.vector_load %swap3A_882[%swap3A_883] {strides = array<i32>} : memref<128xi32, #tpu.memory_space<vmem>>, vector<16xi32>,
      %swap3A_885 = vector.shape_cast %swap3A_884 : vector<16xi32> to vector<16xi32>
      %swap3A_886 = vector.shape_cast %add3A_878 : vector<16xi32> to vector<16xi32>
      tpu.vector_store %swap3A_882[%swap3A_883], %swap3A_886 {strides = array<i32>} : memref<128xi32, #tpu.memory_space<vmem>>, vector<16xi32>,
      %get3A_887 = arith.constant 1 : i32
      %get3A_888 = arith.constant 0 : i32
      %get3A_889 = tpu.memref_slice %arg6[%get3A_887, %get3A_888] : memref<2x128xi32, #tpu.memory_space<vmem>> -> memref<1x128xi32, #tpu.memory_space<vmem>>
      %get3A_890 = tpu.memref_squeeze %get3A_889 : memref<1x128xi32, #tpu.memory_space<vmem>> -> memref<128xi32, #tpu.memory_space<vmem>>
      %get3A_891 = arith.constant 32 : index
      %get3A_892 = tpu.vector_load %get3A_890[%get3A_891] {strides = array<i32>} : memref<128xi32, #tpu.memory_space<vmem>>, vector<16xi32>,
      %get3A_893 = vector.shape_cast %get3A_892 : vector<16xi32> to vector<16xi32>
      %mul3A_894 = arith.constant 4 : i32
      %mul3A_895 = vector.broadcast %mul3A_894 : i32 to vector<16xi32>
      %mul3A_896 = arith.muli %get3A_893, %mul3A_895 : vector<16xi32>
      %get3A_897 = arith.constant 1 : i32
      %get3A_898 = arith.constant 0 : i32
      %get3A_899 = tpu.memref_slice %arg7[%get3A_897, %get3A_898] : memref<2x128xi32, #tpu.memory_space<vmem>> -> memref<1x128xi32, #tpu.memory_space<vmem>>
      %get3A_900 = tpu.memref_squeeze %get3A_899 : memref<1x128xi32, #tpu.memory_space<vmem>> -> memref<128xi32, #tpu.memory_space<vmem>>
      %get3A_901 = arith.constant 32 : index
      %get3A_902 = tpu.vector_load %get3A_900[%get3A_901] {strides = array<i32>} : memref<128xi32, #tpu.memory_space<vmem>>, vector<16xi32>,
      %get3A_903 = vector.shape_cast %get3A_902 : vector<16xi32> to vector<16xi32>
      %add3A_904 = arith.addi %mul3A_896, %get3A_903 : vector<16xi32>
      %swap3A_905 = arith.constant 1 : i32
      %swap3A_906 = arith.constant 0 : i32
      %swap3A_907 = tpu.memref_slice %arg8[%swap3A_905, %swap3A_906] : memref<2x128xi32, #tpu.memory_space<vmem>> -> memref<1x128xi32, #tpu.memory_space<vmem>>
      %swap3A_908 = tpu.memref_squeeze %swap3A_907 : memref<1x128xi32, #tpu.memory_space<vmem>> -> memref<128xi32, #tpu.memory_space<vmem>>
      %swap3A_909 = arith.constant 32 : index
      %swap3A_910 = tpu.vector_load %swap3A_908[%swap3A_909] {strides = array<i32>} : memref<128xi32, #tpu.memory_space<vmem>>, vector<16xi32>,
      %swap3A_911 = vector.shape_cast %swap3A_910 : vector<16xi32> to vector<16xi32>
      %swap3A_912 = vector.shape_cast %add3A_904 : vector<16xi32> to vector<16xi32>
      tpu.vector_store %swap3A_908[%swap3A_909], %swap3A_912 {strides = array<i32>} : memref<128xi32, #tpu.memory_space<vmem>>, vector<16xi32>,
      %get3A_913 = arith.constant 1 : i32
      %get3A_914 = arith.constant 0 : i32
      %get3A_915 = tpu.memref_slice %arg6[%get3A_913, %get3A_914] : memref<2x128xi32, #tpu.memory_space<vmem>> -> memref<1x128xi32, #tpu.memory_space<vmem>>
      %get3A_916 = tpu.memref_squeeze %get3A_915 : memref<1x128xi32, #tpu.memory_space<vmem>> -> memref<128xi32, #tpu.memory_space<vmem>>
      %get3A_917 = arith.constant 48 : index
      %get3A_918 = tpu.vector_load %get3A_916[%get3A_917] {strides = array<i32>} : memref<128xi32, #tpu.memory_space<vmem>>, vector<16xi32>,
      %get3A_919 = vector.shape_cast %get3A_918 : vector<16xi32> to vector<16xi32>
      %mul3A_920 = arith.constant 4 : i32
      %mul3A_921 = vector.broadcast %mul3A_920 : i32 to vector<16xi32>
      %mul3A_922 = arith.muli %get3A_919, %mul3A_921 : vector<16xi32>
      %get3A_923 = arith.constant 1 : i32
      %get3A_924 = arith.constant 0 : i32
      %get3A_925 = tpu.memref_slice %arg7[%get3A_923, %get3A_924] : memref<2x128xi32, #tpu.memory_space<vmem>> -> memref<1x128xi32, #tpu.memory_space<vmem>>
      %get3A_926 = tpu.memref_squeeze %get3A_925 : memref<1x128xi32, #tpu.memory_space<vmem>> -> memref<128xi32, #tpu.memory_space<vmem>>
      %get3A_927 = arith.constant 48 : index
      %get3A_928 = tpu.vector_load %get3A_926[%get3A_927] {strides = array<i32>} : memref<128xi32, #tpu.memory_space<vmem>>, vector<16xi32>,
      %get3A_929 = vector.shape_cast %get3A_928 : vector<16xi32> to vector<16xi32>
      %add3A_930 = arith.addi %mul3A_922, %get3A_929 : vector<16xi32>
      %swap3A_931 = arith.constant 1 : i32
      %swap3A_932 = arith.constant 0 : i32
      %swap3A_933 = tpu.memref_slice %arg8[%swap3A_931, %swap3A_932] : memref<2x128xi32, #tpu.memory_space<vmem>> -> memref<1x128xi32, #tpu.memory_space<vmem>>
      %swap3A_934 = tpu.memref_squeeze %swap3A_933 : memref<1x128xi32, #tpu.memory_space<vmem>> -> memref<128xi32, #tpu.memory_space<vmem>>
      %swap3A_935 = arith.constant 48 : index
      %swap3A_936 = tpu.vector_load %swap3A_934[%swap3A_935] {strides = array<i32>} : memref<128xi32, #tpu.memory_space<vmem>>, vector<16xi32>,
      %swap3A_937 = vector.shape_cast %swap3A_936 : vector<16xi32> to vector<16xi32>
      %swap3A_938 = vector.shape_cast %add3A_930 : vector<16xi32> to vector<16xi32>
      tpu.vector_store %swap3A_934[%swap3A_935], %swap3A_938 {strides = array<i32>} : memref<128xi32, #tpu.memory_space<vmem>>, vector<16xi32>,
      %get3A_939 = arith.constant 1 : i32
      %get3A_940 = arith.constant 0 : i32
      %get3A_941 = tpu.memref_slice %arg6[%get3A_939, %get3A_940] : memref<2x128xi32, #tpu.memory_space<vmem>> -> memref<1x128xi32, #tpu.memory_space<vmem>>
      %get3A_942 = tpu.memref_squeeze %get3A_941 : memref<1x128xi32, #tpu.memory_space<vmem>> -> memref<128xi32, #tpu.memory_space<vmem>>
      %get3A_943 = arith.constant 64 : index
      %get3A_944 = tpu.vector_load %get3A_942[%get3A_943] {strides = array<i32>} : memref<128xi32, #tpu.memory_space<vmem>>, vector<16xi32>,
      %get3A_945 = vector.shape_cast %get3A_944 : vector<16xi32> to vector<16xi32>
      %mul3A_946 = arith.constant 4 : i32
      %mul3A_947 = vector.broadcast %mul3A_946 : i32 to vector<16xi32>
      %mul3A_948 = arith.muli %get3A_945, %mul3A_947 : vector<16xi32>
      %get3A_949 = arith.constant 1 : i32
      %get3A_950 = arith.constant 0 : i32
      %get3A_951 = tpu.memref_slice %arg7[%get3A_949, %get3A_950] : memref<2x128xi32, #tpu.memory_space<vmem>> -> memref<1x128xi32, #tpu.memory_space<vmem>>
      %get3A_952 = tpu.memref_squeeze %get3A_951 : memref<1x128xi32, #tpu.memory_space<vmem>> -> memref<128xi32, #tpu.memory_space<vmem>>
      %get3A_953 = arith.constant 64 : index
      %get3A_954 = tpu.vector_load %get3A_952[%get3A_953] {strides = array<i32>} : memref<128xi32, #tpu.memory_space<vmem>>, vector<16xi32>,
      %get3A_955 = vector.shape_cast %get3A_954 : vector<16xi32> to vector<16xi32>
      %add3A_956 = arith.addi %mul3A_948, %get3A_955 : vector<16xi32>
      %swap3A_957 = arith.constant 1 : i32
      %swap3A_958 = arith.constant 0 : i32
      %swap3A_959 = tpu.memref_slice %arg8[%swap3A_957, %swap3A_958] : memref<2x128xi32, #tpu.memory_space<vmem>> -> memref<1x128xi32, #tpu.memory_space<vmem>>
      %swap3A_960 = tpu.memref_squeeze %swap3A_959 : memref<1x128xi32, #tpu.memory_space<vmem>> -> memref<128xi32, #tpu.memory_space<vmem>>
      %swap3A_961 = arith.constant 64 : index
      %swap3A_962 = tpu.vector_load %swap3A_960[%swap3A_961] {strides = array<i32>} : memref<128xi32, #tpu.memory_space<vmem>>, vector<16xi32>,
      %swap3A_963 = vector.shape_cast %swap3A_962 : vector<16xi32> to vector<16xi32>
      %swap3A_964 = vector.shape_cast %add3A_956 : vector<16xi32> to vector<16xi32>
      tpu.vector_store %swap3A_960[%swap3A_961], %swap3A_964 {strides = array<i32>} : memref<128xi32, #tpu.memory_space<vmem>>, vector<16xi32>,
      %get3A_965 = arith.constant 1 : i32
      %get3A_966 = arith.constant 0 : i32
      %get3A_967 = tpu.memref_slice %arg6[%get3A_965, %get3A_966] : memref<2x128xi32, #tpu.memory_space<vmem>> -> memref<1x128xi32, #tpu.memory_space<vmem>>
      %get3A_968 = tpu.memref_squeeze %get3A_967 : memref<1x128xi32, #tpu.memory_space<vmem>> -> memref<128xi32, #tpu.memory_space<vmem>>
      %get3A_969 = arith.constant 80 : index
      %get3A_970 = tpu.vector_load %get3A_968[%get3A_969] {strides = array<i32>} : memref<128xi32, #tpu.memory_space<vmem>>, vector<16xi32>,
      %get3A_971 = vector.shape_cast %get3A_970 : vector<16xi32> to vector<16xi32>
      %mul3A_972 = arith.constant 4 : i32
      %mul3A_973 = vector.broadcast %mul3A_972 : i32 to vector<16xi32>
      %mul3A_974 = arith.muli %get3A_971, %mul3A_973 : vector<16xi32>
      %get3A_975 = arith.constant 1 : i32
      %get3A_976 = arith.constant 0 : i32
      %get3A_977 = tpu.memref_slice %arg7[%get3A_975, %get3A_976] : memref<2x128xi32, #tpu.memory_space<vmem>> -> memref<1x128xi32, #tpu.memory_space<vmem>>
      %get3A_978 = tpu.memref_squeeze %get3A_977 : memref<1x128xi32, #tpu.memory_space<vmem>> -> memref<128xi32, #tpu.memory_space<vmem>>
      %get3A_979 = arith.constant 80 : index
      %get3A_980 = tpu.vector_load %get3A_978[%get3A_979] {strides = array<i32>} : memref<128xi32, #tpu.memory_space<vmem>>, vector<16xi32>,
      %get3A_981 = vector.shape_cast %get3A_980 : vector<16xi32> to vector<16xi32>
      %add3A_982 = arith.addi %mul3A_974, %get3A_981 : vector<16xi32>
      %swap3A_983 = arith.constant 1 : i32
      %swap3A_984 = arith.constant 0 : i32
      %swap3A_985 = tpu.memref_slice %arg8[%swap3A_983, %swap3A_984] : memref<2x128xi32, #tpu.memory_space<vmem>> -> memref<1x128xi32, #tpu.memory_space<vmem>>
      %swap3A_986 = tpu.memref_squeeze %swap3A_985 : memref<1x128xi32, #tpu.memory_space<vmem>> -> memref<128xi32, #tpu.memory_space<vmem>>
      %swap3A_987 = arith.constant 80 : index
      %swap3A_988 = tpu.vector_load %swap3A_986[%swap3A_987] {strides = array<i32>} : memref<128xi32, #tpu.memory_space<vmem>>, vector<16xi32>,
      %swap3A_989 = vector.shape_cast %swap3A_988 : vector<16xi32> to vector<16xi32>
      %swap3A_990 = vector.shape_cast %add3A_982 : vector<16xi32> to vector<16xi32>
      tpu.vector_store %swap3A_986[%swap3A_987], %swap3A_990 {strides = array<i32>} : memref<128xi32, #tpu.memory_space<vmem>>, vector<16xi32>,
      %get3A_991 = arith.constant 1 : i32
      %get3A_992 = arith.constant 0 : i32
      %get3A_993 = tpu.memref_slice %arg6[%get3A_991, %get3A_992] : memref<2x128xi32, #tpu.memory_space<vmem>> -> memref<1x128xi32, #tpu.memory_space<vmem>>
      %get3A_994 = tpu.memref_squeeze %get3A_993 : memref<1x128xi32, #tpu.memory_space<vmem>> -> memref<128xi32, #tpu.memory_space<vmem>>
      %get3A_995 = arith.constant 96 : index
      %get3A_996 = tpu.vector_load %get3A_994[%get3A_995] {strides = array<i32>} : memref<128xi32, #tpu.memory_space<vmem>>, vector<16xi32>,
      %get3A_997 = vector.shape_cast %get3A_996 : vector<16xi32> to vector<16xi32>
      %mul3A_998 = arith.constant 4 : i32
      %mul3A_999 = vector.broadcast %mul3A_998 : i32 to vector<16xi32>
      %mul3A_1000 = arith.muli %get3A_997, %mul3A_999 : vector<16xi32>
      %get3A_1001 = arith.constant 1 : i32
      %get3A_1002 = arith.constant 0 : i32
      %get3A_1003 = tpu.memref_slice %arg7[%get3A_1001, %get3A_1002] : memref<2x128xi32, #tpu.memory_space<vmem>> -> memref<1x128xi32, #tpu.memory_space<vmem>>
      %get3A_1004 = tpu.memref_squeeze %get3A_1003 : memref<1x128xi32, #tpu.memory_space<vmem>> -> memref<128xi32, #tpu.memory_space<vmem>>
      %get3A_1005 = arith.constant 96 : index
      %get3A_1006 = tpu.vector_load %get3A_1004[%get3A_1005] {strides = array<i32>} : memref<128xi32, #tpu.memory_space<vmem>>, vector<16xi32>,
      %get3A_1007 = vector.shape_cast %get3A_1006 : vector<16xi32> to vector<16xi32>
      %add3A_1008 = arith.addi %mul3A_1000, %get3A_1007 : vector<16xi32>
      %swap3A_1009 = arith.constant 1 : i32
      %swap3A_1010 = arith.constant 0 : i32
      %swap3A_1011 = tpu.memref_slice %arg8[%swap3A_1009, %swap3A_1010] : memref<2x128xi32, #tpu.memory_space<vmem>> -> memref<1x128xi32, #tpu.memory_space<vmem>>
      %swap3A_1012 = tpu.memref_squeeze %swap3A_1011 : memref<1x128xi32, #tpu.memory_space<vmem>> -> memref<128xi32, #tpu.memory_space<vmem>>
      %swap3A_1013 = arith.constant 96 : index
      %swap3A_1014 = tpu.vector_load %swap3A_1012[%swap3A_1013] {strides = array<i32>} : memref<128xi32, #tpu.memory_space<vmem>>, vector<16xi32>,
      %swap3A_1015 = vector.shape_cast %swap3A_1014 : vector<16xi32> to vector<16xi32>
      %swap3A_1016 = vector.shape_cast %add3A_1008 : vector<16xi32> to vector<16xi32>
      tpu.vector_store %swap3A_1012[%swap3A_1013], %swap3A_1016 {strides = array<i32>} : memref<128xi32, #tpu.memory_space<vmem>>, vector<16xi32>,
      %get3A_1017 = arith.constant 1 : i32
      %get3A_1018 = arith.constant 0 : i32
      %get3A_1019 = tpu.memref_slice %arg6[%get3A_1017, %get3A_1018] : memref<2x128xi32, #tpu.memory_space<vmem>> -> memref<1x128xi32, #tpu.memory_space<vmem>>
      %get3A_1020 = tpu.memref_squeeze %get3A_1019 : memref<1x128xi32, #tpu.memory_space<vmem>> -> memref<128xi32, #tpu.memory_space<vmem>>
      %get3A_1021 = arith.constant 112 : index
      %get3A_1022 = tpu.vector_load %get3A_1020[%get3A_1021] {strides = array<i32>} : memref<128xi32, #tpu.memory_space<vmem>>, vector<16xi32>,
      %get3A_1023 = vector.shape_cast %get3A_1022 : vector<16xi32> to vector<16xi32>
      %mul3A_1024 = arith.constant 4 : i32
      %mul3A_1025 = vector.broadcast %mul3A_1024 : i32 to vector<16xi32>
      %mul3A_1026 = arith.muli %get3A_1023, %mul3A_1025 : vector<16xi32>
      %get3A_1027 = arith.constant 1 : i32
      %get3A_1028 = arith.constant 0 : i32
      %get3A_1029 = tpu.memref_slice %arg7[%get3A_1027, %get3A_1028] : memref<2x128xi32, #tpu.memory_space<vmem>> -> memref<1x128xi32, #tpu.memory_space<vmem>>
      %get3A_1030 = tpu.memref_squeeze %get3A_1029 : memref<1x128xi32, #tpu.memory_space<vmem>> -> memref<128xi32, #tpu.memory_space<vmem>>
      %get3A_1031 = arith.constant 112 : index
      %get3A_1032 = tpu.vector_load %get3A_1030[%get3A_1031] {strides = array<i32>} : memref<128xi32, #tpu.memory_space<vmem>>, vector<16xi32>,
      %get3A_1033 = vector.shape_cast %get3A_1032 : vector<16xi32> to vector<16xi32>
      %add3A_1034 = arith.addi %mul3A_1026, %get3A_1033 : vector<16xi32>
      %swap3A_1035 = arith.constant 1 : i32
      %swap3A_1036 = arith.constant 0 : i32
      %swap3A_1037 = tpu.memref_slice %arg8[%swap3A_1035, %swap3A_1036] : memref<2x128xi32, #tpu.memory_space<vmem>> -> memref<1x128xi32, #tpu.memory_space<vmem>>
      %swap3A_1038 = tpu.memref_squeeze %swap3A_1037 : memref<1x128xi32, #tpu.memory_space<vmem>> -> memref<128xi32, #tpu.memory_space<vmem>>
      %swap3A_1039 = arith.constant 112 : index
      %swap3A_1040 = tpu.vector_load %swap3A_1038[%swap3A_1039] {strides = array<i32>} : memref<128xi32, #tpu.memory_space<vmem>>, vector<16xi32>,
      %swap3A_1041 = vector.shape_cast %swap3A_1040 : vector<16xi32> to vector<16xi32>
      %swap3A_1042 = vector.shape_cast %add3A_1034 : vector<16xi32> to vector<16xi32>
      tpu.vector_store %swap3A_1038[%swap3A_1039], %swap3A_1042 {strides = array<i32>} : memref<128xi32, #tpu.memory_space<vmem>>, vector<16xi32>,
      %dma_start3A_1043 = arith.constant 1 : i32
      %dma_start3A_1044 = arith.constant 1 : i32
      %dma_start3A_1045 = arith.constant 0 : i32
      %dma_start3A_1046 = arith.constant 0 : i32
      %dma_start3A_1047 = tpu.memref_slice %arg9[%dma_start3A_1044, %dma_start3A_1045, %dma_start3A_1046] : memref<2x128x256xf32, #tpu.memory_space<vmem>> -> memref<1x128x256xf32, #tpu.memory_space<vmem>>
      %dma_start3A_1048 = tpu.memref_squeeze %dma_start3A_1047 : memref<1x128x256xf32, #tpu.memory_space<vmem>> -> memref<128x256xf32, #tpu.memory_space<vmem>>
      %dma_start3A_1049 = arith.constant 0 : i32
      %dma_start3A_1050 = tpu.memref_slice %arg8[%dma_start3A_1043, %dma_start3A_1049] : memref<2x128xi32, #tpu.memory_space<vmem>> -> memref<1x128xi32, #tpu.memory_space<vmem>>
      %dma_start3A_1051 = tpu.memref_squeeze %dma_start3A_1050 : memref<1x128xi32, #tpu.memory_space<vmem>> -> memref<128xi32, #tpu.memory_space<vmem>>
      %dma_start3A_1052 = arith.constant 0 : i32
      %dma_start3A_1053 = arith.constant 0 : i32
      %dma_start3A_1054 = tpu.memref_slice %arg2[%dma_start3A_1052, %dma_start3A_1053] : memref<320x256xf32, #tpu.memory_space<hbm>> -> memref<320x256xf32, #tpu.memory_space<hbm>>
      tpu.enqueue_indirect_dma source(%dma_start3A_1054 : memref<320x256xf32, #tpu.memory_space<hbm>>) target(%dma_start3A_1048 : memref<128x256xf32, #tpu.memory_space<vmem>>) offsets(%dma_start3A_1051 : memref<128xi32, #tpu.memory_space<vmem>>) semaphore(%arg11 : memref<!tpu.dma_semaphore, #tpu.memory_space<semaphore_mem>>)
      %mul3A_1055 = arith.constant 128 : i32
      %mul3A_1056 = arith.muli %mul3A_537, %mul3A_1055 : i32
      %add3A_1057 = arith.addi %mul3A_2, %mul3A_1056 : i32
      %dma_wait3A_1058 = arith.constant 0 : i32
      %dma_wait3A_1059 = arith.constant 0 : i32
      %dma_wait3A_1060 = arith.constant 0 : i32
      %dma_wait3A_1061 = arith.constant 0 : i32
      %dma_wait3A_1062 = tpu.memref_slice %arg9[%dma_wait3A_1059, %dma_wait3A_1060, %dma_wait3A_1061] : memref<2x128x256xf32, #tpu.memory_space<vmem>> -> memref<1x128x256xf32, #tpu.memory_space<vmem>>
      %dma_wait3A_1063 = tpu.memref_squeeze %dma_wait3A_1062 : memref<1x128x256xf32, #tpu.memory_space<vmem>> -> memref<128x256xf32, #tpu.memory_space<vmem>>
      %dma_wait3A_1064 = arith.constant 0 : i32
      %dma_wait3A_1065 = tpu.memref_slice %arg8[%dma_wait3A_1058, %dma_wait3A_1064] : memref<2x128xi32, #tpu.memory_space<vmem>> -> memref<1x128xi32, #tpu.memory_space<vmem>>
      %dma_wait3A_1066 = tpu.memref_squeeze %dma_wait3A_1065 : memref<1x128xi32, #tpu.memory_space<vmem>> -> memref<128xi32, #tpu.memory_space<vmem>>
      %dma_wait3A_1067 = arith.constant 0 : i32
      %dma_wait3A_1068 = arith.constant 0 : i32
      %dma_wait3A_1069 = tpu.memref_slice %arg2[%dma_wait3A_1067, %dma_wait3A_1068] : memref<320x256xf32, #tpu.memory_space<hbm>> -> memref<320x256xf32, #tpu.memory_space<hbm>>
      tpu.wait_indirect_dma semaphore(%arg10 : memref<!tpu.dma_semaphore, #tpu.memory_space<semaphore_mem>>) src(%dma_wait3A_1069 : memref<320x256xf32, #tpu.memory_space<hbm>>) dst(%dma_wait3A_1063 : memref<128x256xf32, #tpu.memory_space<vmem>>)
      %dma_start3A_1070 = arith.constant 0 : i32
      %dma_start3A_1071 = arith.constant 0 : i32
      %dma_start3A_1072 = arith.constant 0 : i32
      %dma_start3A_1073 = tpu.memref_slice %arg9[%dma_start3A_1070, %dma_start3A_1071, %dma_start3A_1072] : memref<2x128x256xf32, #tpu.memory_space<vmem>> -> memref<1x128x256xf32, #tpu.memory_space<vmem>>
      %dma_start3A_1074 = tpu.memref_squeeze %dma_start3A_1073 : memref<1x128x256xf32, #tpu.memory_space<vmem>> -> memref<128x256xf32, #tpu.memory_space<vmem>>
      %dma_start3A_1075 = arith.constant 0 : i32
      %dma_start3A_1076 = tpu.memref_slice %arg5[%add3A_1057, %dma_start3A_1075] : memref<819200x256xf32, #tpu.memory_space<hbm>> -> memref<128x256xf32, #tpu.memory_space<hbm>>
      %dma_start3A_1077 = arith.constant 0 : i32
      %dma_start3A_1078 = tpu.memref_slice %arg5[%add3A_1057, %dma_start3A_1077] : memref<819200x256xf32, #tpu.memory_space<hbm>> -> memref<128x256xf32, #tpu.memory_space<hbm>>
      %dma_start3A_1079 = arith.constant 0 : i32
      %dma_start3A_1080 = arith.constant 0 : i32
      %dma_start3A_1081 = tpu.memref_slice %arg9[%dma_start3A_1070, %dma_start3A_1079, %dma_start3A_1080] : memref<2x128x256xf32, #tpu.memory_space<vmem>> -> memref<1x128x256xf32, #tpu.memory_space<vmem>>
      %dma_start3A_1082 = tpu.memref_squeeze %dma_start3A_1081 : memref<1x128x256xf32, #tpu.memory_space<vmem>> -> memref<128x256xf32, #tpu.memory_space<vmem>>
      tpu.enqueue_dma source(%dma_start3A_1082 : memref<128x256xf32, #tpu.memory_space<vmem>>) target(%dma_start3A_1078 : memref<128x256xf32, #tpu.memory_space<hbm>>) target_semaphore(%arg12 : memref<!tpu.dma_semaphore, #tpu.memory_space<semaphore_mem>>)
    }
    %scan3A_477 = arith.constant 11 : i32
    %add3A_478 = arith.constant 2944 : i32
    %add3A_479 = arith.addi %mul3A_2, %add3A_478 : i32
    %dma_wait3A_480 = arith.constant 1 : i32
    %dma_wait3A_481 = arith.constant 1 : i32
    %dma_wait3A_482 = arith.constant 0 : i32
    %dma_wait3A_483 = arith.constant 0 : i32
    %dma_wait3A_484 = tpu.memref_slice %arg9[%dma_wait3A_481, %dma_wait3A_482, %dma_wait3A_483] : memref<2x128x256xf32, #tpu.memory_space<vmem>> -> memref<1x128x256xf32, #tpu.memory_space<vmem>>
    %dma_wait3A_485 = tpu.memref_squeeze %dma_wait3A_484 : memref<1x128x256xf32, #tpu.memory_space<vmem>> -> memref<128x256xf32, #tpu.memory_space<vmem>>
    %dma_wait3A_486 = arith.constant 0 : i32
    %dma_wait3A_487 = tpu.memref_slice %arg8[%dma_wait3A_480, %dma_wait3A_486] : memref<2x128xi32, #tpu.memory_space<vmem>> -> memref<1x128xi32, #tpu.memory_space<vmem>>
    %dma_wait3A_488 = tpu.memref_squeeze %dma_wait3A_487 : memref<1x128xi32, #tpu.memory_space<vmem>> -> memref<128xi32, #tpu.memory_space<vmem>>
    %dma_wait3A_489 = arith.constant 0 : i32
    %dma_wait3A_490 = arith.constant 0 : i32
    %dma_wait3A_491 = tpu.memref_slice %arg2[%dma_wait3A_489, %dma_wait3A_490] : memref<320x256xf32, #tpu.memory_space<hbm>> -> memref<320x256xf32, #tpu.memory_space<hbm>>
    tpu.wait_indirect_dma semaphore(%arg11 : memref<!tpu.dma_semaphore, #tpu.memory_space<semaphore_mem>>) src(%dma_wait3A_491 : memref<320x256xf32, #tpu.memory_space<hbm>>) dst(%dma_wait3A_485 : memref<128x256xf32, #tpu.memory_space<vmem>>)
    %dma_start3A_492 = arith.constant 1 : i32
    %dma_start3A_493 = arith.constant 0 : i32
    %dma_start3A_494 = arith.constant 0 : i32
    %dma_start3A_495 = tpu.memref_slice %arg9[%dma_start3A_492, %dma_start3A_493, %dma_start3A_494] : memref<2x128x256xf32, #tpu.memory_space<vmem>> -> memref<1x128x256xf32, #tpu.memory_space<vmem>>
    %dma_start3A_496 = tpu.memref_squeeze %dma_start3A_495 : memref<1x128x256xf32, #tpu.memory_space<vmem>> -> memref<128x256xf32, #tpu.memory_space<vmem>>
    %dma_start3A_497 = arith.constant 0 : i32
    %dma_start3A_498 = tpu.memref_slice %arg5[%add3A_479, %dma_start3A_497] : memref<819200x256xf32, #tpu.memory_space<hbm>> -> memref<128x256xf32, #tpu.memory_space<hbm>>
    %dma_start3A_499 = arith.constant 0 : i32
    %dma_start3A_500 = tpu.memref_slice %arg5[%add3A_479, %dma_start3A_499] : memref<819200x256xf32, #tpu.memory_space<hbm>> -> memref<128x256xf32, #tpu.memory_space<hbm>>
    %dma_start3A_501 = arith.constant 0 : i32
    %dma_start3A_502 = arith.constant 0 : i32
    %dma_start3A_503 = tpu.memref_slice %arg9[%dma_start3A_492, %dma_start3A_501, %dma_start3A_502] : memref<2x128x256xf32, #tpu.memory_space<vmem>> -> memref<1x128x256xf32, #tpu.memory_space<vmem>>
    %dma_start3A_504 = tpu.memref_squeeze %dma_start3A_503 : memref<1x128x256xf32, #tpu.memory_space<vmem>> -> memref<128x256xf32, #tpu.memory_space<vmem>>
    tpu.enqueue_dma source(%dma_start3A_504 : memref<128x256xf32, #tpu.memory_space<vmem>>) target(%dma_start3A_500 : memref<128x256xf32, #tpu.memory_space<hbm>>) target_semaphore(%arg13 : memref<!tpu.dma_semaphore, #tpu.memory_space<semaphore_mem>>)
    %add3A_505 = arith.constant 2816 : i32
    %add3A_506 = arith.addi %mul3A_2, %add3A_505 : i32
    %dma_wait3A_507 = arith.constant 0 : i32
    %dma_wait3A_508 = arith.constant 0 : i32
    %dma_wait3A_509 = arith.constant 0 : i32
    %dma_wait3A_510 = tpu.memref_slice %arg9[%dma_wait3A_507, %dma_wait3A_508, %dma_wait3A_509] : memref<2x128x256xf32, #tpu.memory_space<vmem>> -> memref<1x128x256xf32, #tpu.memory_space<vmem>>
    %dma_wait3A_511 = tpu.memref_squeeze %dma_wait3A_510 : memref<1x128x256xf32, #tpu.memory_space<vmem>> -> memref<128x256xf32, #tpu.memory_space<vmem>>
    %dma_wait3A_512 = arith.constant 0 : i32
    %dma_wait3A_513 = tpu.memref_slice %arg5[%add3A_506, %dma_wait3A_512] : memref<819200x256xf32, #tpu.memory_space<hbm>> -> memref<128x256xf32, #tpu.memory_space<hbm>>
    %dma_wait3A_514 = arith.constant 0 : i32
    %dma_wait3A_515 = tpu.memref_slice %arg5[%add3A_506, %dma_wait3A_514] : memref<819200x256xf32, #tpu.memory_space<hbm>> -> memref<128x256xf32, #tpu.memory_space<hbm>>
    %dma_wait3A_516 = arith.constant 0 : i32
    %dma_wait3A_517 = arith.constant 0 : i32
    %dma_wait3A_518 = tpu.memref_slice %arg9[%dma_wait3A_507, %dma_wait3A_516, %dma_wait3A_517] : memref<2x128x256xf32, #tpu.memory_space<vmem>> -> memref<1x128x256xf32, #tpu.memory_space<vmem>>
    %dma_wait3A_519 = tpu.memref_squeeze %dma_wait3A_518 : memref<1x128x256xf32, #tpu.memory_space<vmem>> -> memref<128x256xf32, #tpu.memory_space<vmem>>
    tpu.wait_dma2 semaphore(%arg12 : memref<!tpu.dma_semaphore, #tpu.memory_space<semaphore_mem>>) src(%dma_wait3A_519 : memref<128x256xf32, #tpu.memory_space<vmem>>) dst(%dma_wait3A_515 : memref<128x256xf32, #tpu.memory_space<hbm>>)
    %add3A_520 = arith.constant 2944 : i32
    %add3A_521 = arith.addi %mul3A_2, %add3A_520 : i32
    %dma_wait3A_522 = arith.constant 1 : i32
    %dma_wait3A_523 = arith.constant 0 : i32
    %dma_wait3A_524 = arith.constant 0 : i32
    %dma_wait3A_525 = tpu.memref_slice %arg9[%dma_wait3A_522, %dma_wait3A_523, %dma_wait3A_524] : memref<2x128x256xf32, #tpu.memory_space<vmem>> -> memref<1x128x256xf32, #tpu.memory_space<vmem>>
    %dma_wait3A_526 = tpu.memref_squeeze %dma_wait3A_525 : memref<1x128x256xf32, #tpu.memory_space<vmem>> -> memref<128x256xf32, #tpu.memory_space<vmem>>
    %dma_wait3A_527 = arith.constant 0 : i32
    %dma_wait3A_528 = tpu.memref_slice %arg5[%add3A_521, %dma_wait3A_527] : memref<819200x256xf32, #tpu.memory_space<hbm>> -> memref<128x256xf32, #tpu.memory_space<hbm>>
    %dma_wait3A_529 = arith.constant 0 : i32
    %dma_wait3A_530 = tpu.memref_slice %arg5[%add3A_521, %dma_wait3A_529] : memref<819200x256xf32, #tpu.memory_space<hbm>> -> memref<128x256xf32, #tpu.memory_space<hbm>>
    %dma_wait3A_531 = arith.constant 0 : i32
    %dma_wait3A_532 = arith.constant 0 : i32
    %dma_wait3A_533 = tpu.memref_slice %arg9[%dma_wait3A_522, %dma_wait3A_531, %dma_wait3A_532] : memref<2x128x256xf32, #tpu.memory_space<vmem>> -> memref<1x128x256xf32, #tpu.memory_space<vmem>>
    %dma_wait3A_534 = tpu.memref_squeeze %dma_wait3A_533 : memref<1x128x256xf32, #tpu.memory_space<vmem>> -> memref<128x256xf32, #tpu.memory_space<vmem>>
    tpu.wait_dma2 semaphore(%arg13 : memref<!tpu.dma_semaphore, #tpu.memory_space<semaphore_mem>>) src(%dma_wait3A_534 : memref<128x256xf32, #tpu.memory_space<vmem>>) dst(%dma_wait3A_530 : memref<128x256xf32, #tpu.memory_space<hbm>>)
    return
  }
}

module attributes {stable_mosaic.version = 14 : i64} {
  func.func @_combine_body(%arg0: memref<80x256xf32, #tpu.memory_space<vmem>>, %arg1: memref<4x256xf32, #tpu.memory_space<vmem>>, %arg2: memref<80x4x256xf32, #tpu.memory_space<vmem>>, %arg3: memref<80x4x256xbf16, #tpu.memory_space<vmem>>, %arg4: memref<80x4x256xbf16, #tpu.memory_space<vmem>>) attributes {dimension_semantics = [], scalar_prefetch = 0 : i64, scratch_operands = 0 : i64, tpu.core_type = #tpu.core_type<tc>} {
    %get3A = arith.constant 0 : index
    %get3A_0 = arith.constant 0 : index
    %get3A_1 = vector.load %arg0[%get3A, %get3A_0] : memref<80x256xf32, #tpu.memory_space<vmem>>, vector<80x256xf32>
    %broadcast_in_dim3A = vector.shape_cast %get3A_1 : vector<80x256xf32> to vector<80x1x256xf32>
    %get3A_2 = arith.constant 0 : index
    %get3A_3 = arith.constant 0 : index
    %get3A_4 = vector.load %arg1[%get3A_2, %get3A_3] : memref<4x256xf32, #tpu.memory_space<vmem>>, vector<4x256xf32>
    %broadcast_in_dim3A_5 = vector.shape_cast %get3A_4 : vector<4x256xf32> to vector<1x4x256xf32>
    %add3A = vector.broadcast %broadcast_in_dim3A : vector<80x1x256xf32> to vector<80x4x256xf32>
    %add3A_6 = vector.broadcast %broadcast_in_dim3A_5 : vector<1x4x256xf32> to vector<80x4x256xf32>
    %add3A_7 = arith.addf %add3A, %add3A_6 : vector<80x4x256xf32>
    %swap3A = arith.constant 0 : index
    %swap3A_8 = arith.constant 0 : index
    %swap3A_9 = arith.constant 0 : index
    %swap3A_10 = vector.load %arg2[%swap3A, %swap3A_8, %swap3A_9] : memref<80x4x256xf32, #tpu.memory_space<vmem>>, vector<80x4x256xf32>
    tpu.vector_store %arg2[%swap3A, %swap3A_8, %swap3A_9], %add3A_7 {strides = array<i32>} : memref<80x4x256xf32, #tpu.memory_space<vmem>>, vector<80x4x256xf32>,
    %convert_element_type3A = arith.truncf %add3A_7 : vector<80x4x256xf32> to vector<80x4x256xbf16>
    %swap3A_11 = arith.constant 0 : index
    %swap3A_12 = arith.constant 0 : index
    %swap3A_13 = arith.constant 0 : index
    %swap3A_14 = vector.load %arg3[%swap3A_11, %swap3A_12, %swap3A_13] : memref<80x4x256xbf16, #tpu.memory_space<vmem>>, vector<80x4x256xbf16>
    tpu.vector_store %arg3[%swap3A_11, %swap3A_12, %swap3A_13], %convert_element_type3A {strides = array<i32>} : memref<80x4x256xbf16, #tpu.memory_space<vmem>>, vector<80x4x256xbf16>,
    %convert_element_type3A_15 = arith.extf %convert_element_type3A : vector<80x4x256xbf16> to vector<80x4x256xf32>
    %sub3A = arith.subf %add3A_7, %convert_element_type3A_15 : vector<80x4x256xf32>
    %convert_element_type3A_16 = arith.truncf %sub3A : vector<80x4x256xf32> to vector<80x4x256xbf16>
    %swap3A_17 = arith.constant 0 : index
    %swap3A_18 = arith.constant 0 : index
    %swap3A_19 = arith.constant 0 : index
    %swap3A_20 = vector.load %arg4[%swap3A_17, %swap3A_18, %swap3A_19] : memref<80x4x256xbf16, #tpu.memory_space<vmem>>, vector<80x4x256xbf16>
    tpu.vector_store %arg4[%swap3A_17, %swap3A_18, %swap3A_19], %convert_element_type3A_16 {strides = array<i32>} : memref<80x4x256xbf16, #tpu.memory_space<vmem>>, vector<80x4x256xbf16>,
    return
  }
}

module attributes {stable_mosaic.version = 14 : i64} {
  func.func @_tc_gather_body(%arg0: i32, %arg1: memref<1x1x8192xi32, #tpu.memory_space<vmem>>, %arg2: memref<1x1x8192xi32, #tpu.memory_space<vmem>>, %arg3: memref<320x256xbf16, #tpu.memory_space<vmem>>, %arg4: memref<320x256xbf16, #tpu.memory_space<vmem>>, %arg5: memref<819200x256xf32, #tpu.memory_space<any>>, %arg6: memref<8192x256xf32, #tpu.memory_space<vmem>>) attributes {dimension_semantics = [#tpu.dimension_semantics<arbitrary>], iteration_bounds = array<i64: 88>, scalar_prefetch = 0 : i64, scratch_operands = 0 : i64, tpu.core_type = #tpu.core_type<tc>, window_params = [{transform_indices = @transform_0, window_bounds = array<i64: 1, 1, 8192>}, {transform_indices = @transform_1, window_bounds = array<i64: 1, 1, 8192>}, {pipeline_mode = #tpu.pipeline_mode<synchronous>, transform_indices = @transform_2, window_bounds = array<i64: 320, 256>}, {pipeline_mode = #tpu.pipeline_mode<synchronous>, transform_indices = @transform_3, window_bounds = array<i64: 320, 256>}, {}, {transform_indices = @transform_5, window_bounds = array<i64: 8192, 256>}]} {
    %get3A = arith.constant 0 : index
    %get3A_0 = arith.constant 0 : index
    %get3A_1 = arith.constant 0 : index
    %get3A_2 = vector.load %arg1[%get3A, %get3A_0, %get3A_1] : memref<1x1x8192xi32, #tpu.memory_space<vmem>>, vector<1x1x8192xi32>
    %get3A_3 = vector.shape_cast %get3A_2 : vector<1x1x8192xi32> to vector<8192xi32>
    %mul3A = arith.constant 4 : i32
    %mul3A_4 = vector.broadcast %mul3A : i32 to vector<8192xi32>
    %mul3A_5 = arith.muli %get3A_3, %mul3A_4 : vector<8192xi32>
    %get3A_6 = arith.constant 0 : index
    %get3A_7 = arith.constant 0 : index
    %get3A_8 = arith.constant 0 : index
    %get3A_9 = vector.load %arg2[%get3A_6, %get3A_7, %get3A_8] : memref<1x1x8192xi32, #tpu.memory_space<vmem>>, vector<1x1x8192xi32>
    %get3A_10 = vector.shape_cast %get3A_9 : vector<1x1x8192xi32> to vector<8192xi32>
    %add3A = arith.addi %mul3A_5, %get3A_10 : vector<8192xi32>
    %broadcast_in_dim3A = vector.shape_cast %add3A : vector<8192xi32> to vector<8192x1xi32>
    %iota3A = tpu.iota {dimensions = array<i32: 1>} : vector<8192x320xi32>
    %eq3A = vector.broadcast %broadcast_in_dim3A : vector<8192x1xi32> to vector<8192x320xi32>
    %eq3A_11 = arith.cmpi eq, %eq3A, %iota3A : vector<8192x320xi32>
    %convert_element_type3A = arith.extui %eq3A_11 : vector<8192x320xi1> to vector<8192x320xi32>
    %convert_element_type3A_12 = arith.sitofp %convert_element_type3A : vector<8192x320xi32> to vector<8192x320xf32>
    %convert_element_type3A_13 = arith.truncf %convert_element_type3A_12 : vector<8192x320xf32> to vector<8192x320xbf16>
    %get3A_14 = arith.constant 0 : index
    %get3A_15 = arith.constant 0 : index
    %get3A_16 = vector.load %arg3[%get3A_14, %get3A_15] : memref<320x256xbf16, #tpu.memory_space<vmem>>, vector<320x256xbf16>
    %dot_general3A = arith.constant dense<0.000000e+00> : vector<8192x256xf32>
    %dot_general3A_17 = tpu.matmul %convert_element_type3A_13, %get3A_16, %dot_general3A {dimension_numbers = #tpu.dot_dimension_numbers<[1], [0], [0], [1], [0, 0, 1, 1], [], []>, transpose_lhs_hint = false} : vector<8192x320xbf16>, vector<320x256xbf16>, vector<8192x256xf32> -> vector<8192x256xf32>
    %get3A_18 = arith.constant 0 : index
    %get3A_19 = arith.constant 0 : index
    %get3A_20 = vector.load %arg4[%get3A_18, %get3A_19] : memref<320x256xbf16, #tpu.memory_space<vmem>>, vector<320x256xbf16>
    %dot_general3A_21 = arith.constant dense<0.000000e+00> : vector<8192x256xf32>
    %dot_general3A_22 = tpu.matmul %convert_element_type3A_13, %get3A_20, %dot_general3A_21 {dimension_numbers = #tpu.dot_dimension_numbers<[1], [0], [0], [1], [0, 0, 1, 1], [], []>, transpose_lhs_hint = false} : vector<8192x320xbf16>, vector<320x256xbf16>, vector<8192x256xf32> -> vector<8192x256xf32>
    %add3A_23 = arith.addf %dot_general3A_17, %dot_general3A_22 : vector<8192x256xf32>
    %swap3A = arith.constant 0 : index
    %swap3A_24 = arith.constant 0 : index
    %swap3A_25 = vector.load %arg6[%swap3A, %swap3A_24] : memref<8192x256xf32, #tpu.memory_space<vmem>>, vector<8192x256xf32>
    tpu.vector_store %arg6[%swap3A, %swap3A_24], %add3A_23 {strides = array<i32>} : memref<8192x256xf32, #tpu.memory_space<vmem>>, vector<8192x256xf32>,
    return
  }
  func.func @transform_0(%arg0: i32) -> (i32, i32, i32) {
    %c0_i32 = arith.constant 0 : i32
    %c0_i32_0 = arith.constant 0 : i32
    %c0_i32_1 = arith.constant 0 : i32
    return %arg0, %c0_i32, %c0_i32_0 : i32, i32, i32
  }
  func.func @transform_1(%arg0: i32) -> (i32, i32, i32) {
    %c0_i32 = arith.constant 0 : i32
    %c0_i32_0 = arith.constant 0 : i32
    %c0_i32_1 = arith.constant 0 : i32
    return %arg0, %c0_i32, %c0_i32_0 : i32, i32, i32
  }
  func.func @transform_2(%arg0: i32) -> (i32, i32) {
    %c0_i32 = arith.constant 0 : i32
    %c0_i32_0 = arith.constant 0 : i32
    %c0_i32_1 = arith.constant 0 : i32
    return %c0_i32, %c0_i32_0 : i32, i32
  }
  func.func @transform_3(%arg0: i32) -> (i32, i32) {
    %c0_i32 = arith.constant 0 : i32
    %c0_i32_0 = arith.constant 0 : i32
    %c0_i32_1 = arith.constant 0 : i32
    return %c0_i32, %c0_i32_0 : i32, i32
  }
  func.func @transform_5(%arg0: i32) -> (i32, i32) {
    %add3A = arith.constant 12 : i32
    %add3A_0 = arith.addi %arg0, %add3A : i32
    %c0_i32 = arith.constant 0 : i32
    %c0_i32_1 = arith.constant 0 : i32
    return %add3A_0, %c0_i32 : i32, i32
  }
}

</mosaic_0001>

<sc_bundles>
// kernel: kernel.5.cloned.1.call-start
scs
__scs_entry_jumppad:
0x0: {  	(pc) =	sbr.rel $0x88, $3  }
0x1: {  	(tag) =	ssettag $0x0;
	lr =	simm.s32 $0x1  }
0x2: {  	[smem:$0x3F9D] =	sst lr;
	_ =	strace $0xD0000000  }
0x3: {  	_ = 	snop  }
0x4: {  	_ = 	snop  }
0x5: {  	_ = 	snop  }
0x6: {  	_ = 	snop  }
0x7: {  	_ = 	snop  }
__scs_overlays_trampoline_lowered:
0x8: {  	[smem:$0x3FAC] =	sst s0  }
0x9: {  	[smem:$0x3FAD] =	sst s1  }
0xa: {  	[smem:$0x3FAE] =	sst s2  }
0xb: {  	[smem:$0x3FAF] =	sst s3  }
0xc: {  	[smem:$0x3FB0] =	sst s4  }
0xd: {  	[smem:$0x3FB1] =	sst s5  }
0xe: {  	[smem:$0x3FB2] =	sst s6  }
0xf: {  	[smem:$0x3FB3] =	sst s7  }
0x10: {  	[smem:$0x3FB4] =	sst s8  }
0x11: {  	[smem:$0x3FB5] =	sst s9;
	s0 =	simm.s32 @!p0 $0x0  }
0x12: {  	s1 =	sld [smem:$0x3F9B];
	s0 =	simm.s32 @p0 $0x1  }
0x13: {  	[smem:$0x3FB6] =	sst s0;
	s0 =	simm.s32 @!p1 $0x0  }
0x14: {  	s2 =	sld [smem:$0x3F9A];
	s0 =	simm.s32 @p1 $0x1  }
0x15: {  	[smem:$0x3FB7] =	sst s0;
	s0 =	simm.s32 @!p2 $0x0  }
0x16: {  	s3 =	sld [smem:$0x3FDB];
	s0 =	simm.s32 @p2 $0x1  }
0x17: {  	s4 =	simm.s32 $0x1BF5;
	[smem:$0x3FB9] =	sst s0  }
0x18: {  	s0 =	sld [smem:$0x3F9C];
	_ =	swait.ge [sflag:s4], $0x0  }
0x19: {  	s7 =	sld [smem:$0x3F9D]  }
0x1a: {  	s8 =	sadd.s32 $0xFFFFE003, lr  }
0x1b: {  	s9 =	sadd.s32 $0xFFFFFEF7, lr;
	s5 =	simm.s32 $0xFFFFFFFF;
	p2 =	slt.u32 s8, $0xFFFFF086  }
0x1c: {  	p1 =	slt.u32 s9, $0xF7A;
	s5 =	simm.s32 @!p2 $0x0  }
0x1d: {  	s5 =	simm.s32 @p1 $0x1;
	p0 =	seq.s32 s7, s2  }
0x1e: {  	s7 =	smul.u32 @!p0 $0xF7A, s2;
	p2 =	seq.s32 @!p0 s5, $0x0  }
0x1f: {  	s9 =	smul.u32 $0xF7A, s1;
	s8 =	simm.s32 @!p0 $0x1BF5;
	p2 =	por !p2, p0  }
0x20: {  	[sflag:s8] =	ssyncset.s32 @!p0 $0xFFFFF086;
	s6 =	sadd.s32 @!p0 s3, s7;
	s7 =	simm.s32 @!p0 $0x108  }
0x21: {  	s3 =	sadd.s32 s3, s9;
	s6 =	sadd.s32 @!p0 $0x88, s6;
	s7 =	simm.s32 @p2 $0x1082  }
0x22: {  	[simem:s7], [sflag:s8] =	dma.local @!p0 [hbm:s6], $0xF7A  }
0x23: {  	s9 =	sor.u32 $0xD0000000, s2;
	s6 =	simm.s32 $0x108;
	_ =	swait.ge @!p0 [sflag:s8], $0x0  }
0x24: {  	s3 =	sadd.s32 $0x88, s3;
	s6 =	simm.s32 @!p1 $0x1082;
	[sflag:s4] =	ssyncset.s32 $0xFFFFF086  }
0x25: {  	[simem:s6], [sflag:s4] =	dma.local [hbm:s3], $0xF7A  }
0x26: {  	[smem:$0x3F9D] =	sst s1;
	(tag) =	ssettag s2;
	_ =	strace s9  }
0x27: {  	s1 =	sld [smem:$0x3FAD]  }
0x28: {  	s2 =	sld [smem:$0x3FAE]  }
0x29: {  	s4 =	sld [smem:$0x3FB0]  }
0x2a: {  	p0 =	seq.s32 s5, $0x0;
	s5 =	sld [smem:$0x3FB1]  }
0x2b: {  	s6 =	sld [smem:$0x3FB2]  }
0x2c: {  	s7 =	sld [smem:$0x3FB3]  }
0x2d: {  	s3 =	simm.s32 $0x108;
	s8 =	sld [smem:$0x3FB4]  }
0x2e: {  	s3 =	simm.s32 @!p0 $0x1082;
	s9 =	sld [smem:$0x3FB5]  }
0x2f: {  	lr =	sadd.s32 s0, s3;
	s0 =	sld [smem:$0x3FAC]  }
0x30: {  	s3 =	sld [smem:$0x3FAF]  }
0x31: {  	[smem:$0x3FB8] =	sst s10  }
0x32: {  	s10 =	sld [smem:$0x3FB6];
	_ =	sdelay $0x3  }
0x33: {  	p0 =	seq.s32 s10, $0x1;
	s10 =	sld [smem:$0x3FB8];
	_ =	sdelay $0x3  }
0x34: {  	[smem:$0x3FB8] =	sst s10  }
0x35: {  	s10 =	sld [smem:$0x3FB7];
	_ =	sdelay $0x3  }
0x36: {  	p1 =	seq.s32 s10, $0x1;
	s10 =	sld [smem:$0x3FB8];
	_ =	sdelay $0x3  }
0x37: {  	[smem:$0x3FB8] =	sst s10  }
0x38: {  	s10 =	sld [smem:$0x3FB9]  }
0x39: {  	_ = 	snop;
	(pc) =	sbr.ind lr, $3  }
0x3a: {  	_ = 	snop  }
0x3b: {  	_ = 	snop  }
0x3c: {  	p2 =	seq.s32 s10, $0x1;
	s10 =	sld [smem:$0x3FB8]  }
0x3d: {  	_ =	shalt  }
0x3e: {  	_ =	shalt  }
0x3f: {  	_ =	shalt  }
0x40: {  	_ =	shalt  }
0x41: {  	_ =	shalt  }
0x42: {  	_ =	shalt  }
0x43: {  	_ =	shalt  }
0x44: {  	_ =	shalt  }
0x45: {  	_ =	shalt  }
0x46: {  	_ =	shalt  }
0x47: {  	_ =	shalt  }
0x48: {  	_ =	shalt  }
0x49: {  	_ =	shalt  }
0x4a: {  	_ =	shalt  }
0x4b: {  	_ =	shalt  }
0x4c: {  	_ =	shalt  }
0x4d: {  	_ =	shalt  }
0x4e: {  	_ =	shalt  }
0x4f: {  	_ =	shalt  }
0x50: {  	_ =	shalt  }
0x51: {  	_ =	shalt  }
0x52: {  	_ =	shalt  }
0x53: {  	_ =	shalt  }
0x54: {  	_ =	shalt  }
0x55: {  	_ =	shalt  }
0x56: {  	_ =	shalt  }
0x57: {  	_ =	shalt  }
0x58: {  	_ =	shalt  }
0x59: {  	_ =	shalt  }
0x5a: {  	_ =	shalt  }
0x5b: {  	_ =	shalt  }
0x5c: {  	_ =	shalt  }
0x5d: {  	_ =	shalt  }
0x5e: {  	_ =	shalt  }
0x5f: {  	_ =	shalt  }
0x60: {  	_ =	shalt  }
0x61: {  	_ =	shalt  }
0x62: {  	_ =	shalt  }
0x63: {  	_ =	shalt  }
0x64: {  	_ =	shalt  }
0x65: {  	_ =	shalt  }
0x66: {  	_ =	shalt  }
0x67: {  	_ =	shalt  }
0x68: {  	_ =	shalt  }
0x69: {  	_ =	shalt  }
0x6a: {  	_ =	shalt  }
0x6b: {  	_ =	shalt  }
0x6c: {  	_ =	shalt  }
0x6d: {  	_ =	shalt  }
0x6e: {  	_ =	shalt  }
0x6f: {  	_ =	shalt  }
0x70: {  	_ =	shalt  }
0x71: {  	_ =	shalt  }
0x72: {  	_ =	shalt  }
0x73: {  	_ =	shalt  }
0x74: {  	_ =	shalt  }
0x75: {  	_ =	shalt  }
0x76: {  	_ =	shalt  }
0x77: {  	_ =	shalt  }
0x78: {  	_ =	shalt  }
0x79: {  	_ =	shalt  }
0x7a: {  	_ =	shalt  }
0x7b: {  	_ =	shalt  }
0x7c: {  	_ =	shalt  }
0x7d: {  	_ =	shalt  }
0x7e: {  	_ =	shalt  }
0x7f: {  	_ =	shalt  }
0x80: {  	_ =	shalt  }
0x81: {  	_ =	shalt  }
0x82: {  	_ =	shalt  }
0x83: {  	_ =	shalt  }
0x84: {  	_ =	shalt  }
0x85: {  	_ =	shalt  }
0x86: {  	_ =	shalt  }
0x87: {  	_ =	shalt  }
.Lfunc_end0:
.L_simem_size_0:
called_computation_lowered:
.L_overlay_start_0:
0x88: {  	s2 =	sld [smem:$0x3FD9]  }
0x89: {  	s3 =	sld [smem:$0x3FFE];
	_ =	sdelay $0x1  }
0x8a: {  	s1 =	srdreg.scid  }
0x8b: {  	s0 =	sand.u32 $0x1, s1  }
0x8c: {  	s17 =	sshll.u32 s0, $0xA;
	s2 =	sadd.s32 s3, s2  }
0x8d: {  	s2 =	sadd.s32 s2, s17  }
0x8e: {  	[smem:$0x3FC4] =	sst s2  }
0x8f: {  	_ = 	snop  }
0x90: {  	s2 =	sld [smem:$0x3FD0];
	(tm) =	ssettm $0x1  }
0x91: {  	s18 =	sld [smem:$0x3FFB];
	_ =	sdelay $0x3  }
0x92: {  	_ =	strace s18  }
0x93: {  	s3 =	sld [smem:$0x3FFC];
	_ =	sdelay $0x3  }
0x94: {  	_ =	strace s3  }
0x95: {  	s3 =	sld [smem:$0x3FFD];
	_ =	sdelay $0x3  }
0x96: {  	_ =	strace s3  }
0x97: {  	_ =	strace $0x8FFFFFFF  }
0x98: {  	s19 =	sld [smem:$0x3FDB];
	_ =	sdelay $0x1  }
0x99: {  	s4 =	simm.s32 $_scs_section_size  }
0x9a: {  	s5 =	simm.s32 $_size__tile_overlayer_lowered;
	s6 =	simm.s32 $_tile_overlayer_lowered  }
0x9b: {  	s22 =	simm.s32 $0x1BFF;
	s21 =	sshll.u32 s6, $0x1;
	s3 =	sadd.s32 s4, s19  }
0x9c: {  	s7 =	simm.s32 $0x0;
	s20 =	sshll.u32 s5, $0x1;
	s5 =	sadd.s32 s21, s3  }
0x9d: {  	[timem:s7], [sflag:s22] =	dma.local [hbm:s5], s20  }
0x9e: {  	_ =	swait.ge [sflag:s22], s20  }
0x9f: {  	s4 =	ssub.s32 $0x0, s20;
	[sflag:s22] =	ssyncset.done $0x0  }
0xa0: {  	[sflag:s22] =	ssyncadd.s32 s4;
	_ =	sdelay $0x1  }
0xa1: {  	s23 =	simm.s32 $0x1B8B  }
0xa2: {  	_ =	swait.ge [sflag:s23], $0x1  }
0xa3: {  	[sflag:s23] =	ssyncset.done $0x0  }
0xa4: {  	s25 =	simm.s32 $0x1B8E;
	s24 =	sld [smem:$0x3FFE];
	[sflag:s23] =	ssyncadd.s32 $0xFFFFFFFF  }
0xa5: {  	s26 =	simm.s32 $execute0_lowered;
	[smem:$0x3FD2] =	sst s25  }
0xa6: {  	s5 =	sshll.u32 s26, $0x1;
	_ =	strace $0x80000046;
	[dreg:$0x1] =	wrdreg $0xFFFFFFFF  }
0xa7: {  	s28 =	simm.s32 $_size_execute0_lowered;
	s3 =	sadd.s32 s3, s5;
	[dreg:$0x0] =	wrdreg $0x0  }
0xa8: {  	s5 =	sshll.u32 s28, $0x1;
	[dreg:$0x2] =	wrdreg s3  }
0xa9: {  	[dreg:$0x3] =	wrdreg s5  }
0xaa: {  	[dreg:$0x4] =	wrdreg $0xC0  }
0xab: {  	_ =	task [dreg:s7], $0x5FFFF  }
0xac: {  	[dreg:$0x1] =	wrdreg $0xFFFFFFFF  }
0xad: {  	[dreg:$0x0] =	wrdreg $0x60  }
0xae: {  	[dreg:$0x2] =	wrdreg s24  }
0xaf: {  	[dreg:$0x3] =	wrdreg s2  }
0xb0: {  	[dreg:$0x4] =	wrdreg $0x9  }
0xb1: {  	_ =	task.clear_ibuf [dreg:s7], $0x5FFFF;
	_ =	strace $0x90000046  }
0xb2: {  	s29 =	simm.s32 $0x9;
	_ =	strace $0x80000048  }
0xb3: {  	_ =	swait.ge [sflag:s29], $0x1  }
0xb4: {  	[sflag:s29] =	ssyncadd.s32 $0xFFFFFFFF  }
0xb5: {  	_ =	strace $0x90000048  }
0xb6: {  	_ =	sfence  }
0xb7: {  	s30 =	sld [smem:$0x0];
	_ =	sdelay $0x2  }
0xb8: {  	s31 =	sshll.u32 s1, $0xD;
	s1 =	sshrl.u32 s1, $0x2  }
0xb9: {  	s3 =	sand.u32 $0x4000, s31;
	s1 =	sadd.s32 s1, s30  }
0xba: {  	s0 =	sor.u32 s3, s0;
	s1 =	sshll.u32 s1, $0x11  }
0xbb: {  	s0 =	sor.u32 s1, s0  }
0xbc: {  	s0 =	sadd.s32 $0x8F2B, s0  }
0xbd: {  	[sflag:s0] =	ssyncadd.remote.s32 $0x1  }
0xbe: {  	_ =	sfence.sel $0xFFFF  }
0xbf: {  	[dreg:$0x0] =	wrdreg $0xFFFFFFFF;
	(pc) =	sbr.abs _section_cstart, $3  }
0xc0: {  	[dreg:$0x1] =	wrdreg $0xFFFFFFFF  }
0xc1: {  	_ =	task.clear_ibuf [dreg:s7], $0x2FFFF;
	_ =	strace $0x9FFFFFFF  }
0xc2: {  	(tm) =	ssettm $0x7FFFFFFF  }
0xc3: {  	_ =	shalt  }
tec
execute0_lowered:
.L_overlay_start_1:
0x0: {  	(tag) =	ssettag $0x1  }
0x1: {  	s0 =	rddreg [dreg:$0x0]  }
0x2: {  	s1 =	rddreg [dreg:$0x1]  }
0x3: {  	s2 =	simm.s32 $0x0;
	s3 =	srdreg.scid;
	s13 =	stileid.u32  }
0x4: {  	s28 =	simm.s32 $0xB00;
	s29 =	simm.s32 $0x1300;
	s31 =	simm.s32 $0x9B00  }
0x5: {  	s30 =	simm.s32 $0x0;
	[smem:$0x7FF] =	sst s2;
	s11 =	smul.u32 $0x1800, s13  }
0x6: {  	s4 =	sand.u32 $0x1, s3;
	s14 =	sshll.u32 s13, $0x1;
	s24 =	smul.u32 $0x30000, s13  }
0x7: {  	s3 =	sadd.s32 $0x4400, s0;
	s6 =	sadd.s32 $0x26C00, s0;
	s12 =	smul.u32 $0xC00, s4  }
0x8: {  	s5 =	sor.u32 s4, s14;
	s8 =	ssub.s32 $0x2, s4;
	s4 =	smul.u32 $0x18000, s4  }
0x9: {  	s0 =	sadd.s32 $0x49C00, s0;
	s13 =	simm.s32 $0x6300;
	s7 =	smul.u32 $0xC00, s5  }
0xa: {  	_ =	strace $0x80000047;
	s9 =	smul.u32 $0xC0000, s5;
	s10 =	sshrl.u32 s8, $0x1  }
0xb: {  	s5 =	smul.u32 $0x18000, s5;
	s8 =	ssub.s32 s8, s10;
	s18 =	sadd.s32 s12, s11  }
0xc: {  	s12 =	simm.s32 $0x5;
	s11 =	simm.s32 $0x5B00;
	s7 =	sshrl.u32 s7, $0x3  }
0xd: {  	s17 =	sshrl.u32 s9, $0x3;
	s19 =	sor.u32 $0x180, s18;
	s5 =	sadd.s32 s1, s5  }
0xe: {  	s22 =	smax.u32 s8, $0x1;
	s25 =	sor.u32 $0x100, s18;
	s8 =	simm.s32 $0x4300  }
0xf: {  	s9 =	simm.s32 $0x4B00;
	s18 =	simm.s32 $0x80;
	[dreg:$0xb] =	wrdreg s5  }
0x10: {  	s15 =	sor.u32 $0x10, s7;
	s14 =	sadd.s32 s6, s7;
	[dreg:$0xd] =	wrdreg s22  }
0x11: {  	s7 =	sadd.s32 s0, s7;
	s21 =	sshrl.u32 s19, $0x3;
	[dreg:$0x7] =	wrdreg s14  }
0x12: {  	s19 =	simm.s32 $0x180;
	s22 =	simm.s32 $0x3;
	[dreg:$0x8] =	wrdreg s7  }
0x13: {  	s16 =	sadd.s32 s6, s15;
	s10 =	sadd.s32 s0, s15;
	s7 =	sadd.s32 s1, s17  }
0x14: {  	s23 =	sadd.s32 s21, s0;
	s5 =	sadd.s32 s21, s6;
	s1 =	sadd.s32 s24, s1  }
0x15: {  	s15 =	simm.s32 $0x6B00;
	s17 =	simm.s32 $0x7B00;
	[dreg:$0x9] =	wrdreg s16  }
0x16: {  	s14 =	simm.s32 $0x9300;
	s21 =	simm.s32 $0x1;
	[dreg:$0xa] =	wrdreg s10  }
0x17: {  	s24 =	simm.s32 $0x4;
	s20 =	sadd.s32 $0x17000, s7;
	[dreg:$0x3] =	wrdreg s23  }
0x18: {  	s7 =	sshrl.u32 s25, $0x3;
	[dreg:$0x4] =	wrdreg s5;
	s1 =	sadd.s32 s4, s1  }
0x19: {  	s4 =	simm.s32 $0x2300;
	s5 =	simm.s32 $0x2B00;
	s10 =	simm.s32 $0x5300  }
0x1a: {  	s16 =	simm.s32 $0x7300;
	[dreg:$0xc] =	wrdreg s20;
	s1 =	sadd.s32 $0x1000, s1  }
0x1b: {  	s23 =	simm.s32 $0x2;
	s0 =	sadd.s32 s7, s0;
	[dreg:$0xe] =	wrdreg s1  }
0x1c: {  	v2 =	vlaneseq.u32;
	s26 =	sadd.s32 s7, s6;
	s6 =	simm.s32 $0x3300;
	[dreg:$0x5] =	wrdreg s0  }
0x1d: {  	vm0 =	vmmov $0xffff;
	v1 =	vshrl.u32 v2, $0x3;
	s7 =	simm.s32 $0x3B00;
	s20 =	simm.s32 $0x8B00;
	[dreg:$0x6] =	wrdreg s26  }
0x1e: {  	v0 =	vand.u32 $0x7, v2;
	v2 =	vor.u32 $0x8, v2;
	v1 =	vmul.u32 $0x8, v1;
	s26 =	simm.s32 $0x100;
	s0 =	simm.s32 $0x1B00;
	s1 =	simm.s32 $0x8300  }
.LBB2_1:
0x1f: {  	[dreg:$0xf] =	wrdreg s30  }
0x20: {  	s25 =	rddreg [dreg:$0x7]  }
0x21: {  	[tilespmem:s2], [sflag:$0x5] =	stream.linear.gather [hbm4b:s25+s2], $0x80, $0x38;
	[tilespmem:$0x10300] =	vst v63  }
0x22: {  	_ =	swait.ge [sflag:s12], $0x80  }
0x23: {  	[sflag:s12] =	ssyncset.done $0x0  }
0x24: {  	s25 =	rddreg [dreg:$0x8];
	[sflag:s12] =	ssyncadd.s32 $0xFFFFFF80  }
0x25: {  	[tilespmem:s26], [sflag:$0x5] =	stream.linear.gather [hbm4b:s25+s2], $0x80, $0x38;
	[tilespmem:$0x10300] =	vst v63  }
0x26: {  	_ =	swait.ge [sflag:s12], $0x80  }
0x27: {  	[sflag:s12] =	ssyncset.done $0x0  }
0x28: {  	[sflag:s12] =	ssyncadd.s32 $0xFFFFFF80  }
0x29: {  	v3 =	vld [tilespmem:$0x0]  }
0x2a: {  	v4 =	vld [tilespmem:$0x100]  }
0x2b: {  	v5 =	vld [tilespmem:$0x10]  }
0x2c: {  	v6 =	vld [tilespmem:$0x110]  }
0x2d: {  	v7 =	vld [tilespmem:$0x20]  }
0x2e: {  	v8 =	vld [tilespmem:$0x120]  }
0x2f: {  	v9 =	vld [tilespmem:$0x30]  }
0x30: {  	v10 =	vld [tilespmem:$0x130]  }
0x31: {  	v11 =	vld [tilespmem:$0x40]  }
0x32: {  	v12 =	vld [tilespmem:$0x140]  }
0x33: {  	v13 =	vld [tilespmem:$0x50];
	v3 =	vshll.u32 v3, $0x2  }
0x34: {  	v60 =	vld [tilespmem:$0x150];
	v3 =	vadd.s32 v4, v3  }
0x35: {  	v14 =	vld [tilespmem:$0x60];
	v5 =	vshll.u32 v5, $0x2;
	v15 =	vshll.u32 v3, $0x1  }
0x36: {  	v16 =	vld [tilespmem:$0x160];
	v7 =	vshll.u32 v7, $0x2;
	v17 =	vand.u32 $0x7, v3;
	v15 =	vand.u32 $0xFFFFFFF0, v15  }
0x37: {  	v62 =	vld [tilespmem:$0x70];
	v61 =	vadd.s32 v8, v7;
	[tilespmem:$0x200] =	vst v3;
	v3 =	vadd.s32 v6, v5;
	v63 =	vor.u32 v17, v15  }
0x38: {  	[tilespmem:$0x210] =	vst v3;
	v3 =	vshll.u32 v9, $0x2;
	v15 =	vshll.u32 v11, $0x2;
	v17 =	vld [tilespmem:$0x170];
	v18 =	vperm.xlane v63, v0  }
0x39: {  	[tilespmem:$0x220] =	vst v61;
	v3 =	vadd.s32 v10, v3;
	v19 =	vadd.s32 v12, v15  }
0x3a: {  	[tilespmem:$0x230] =	vst v3;
	v3 =	vshll.u32 v13, $0x2;
	v7 =	vperm.xlane v63, v2;
	v20 =	vadd.s32 v1, v18  }
0x3b: {  	v21 =	vshll.u32 v14, $0x2;
	[tilespmem:$0x240] =	vst v19;
	v3 =	vadd.s32 v60, v3  }
0x3c: {  	v22 =	vshll.u32 v62, $0x2;
	[tilespmem:$0x250] =	vst v3;
	v3 =	vadd.s32 v16, v21;
	v23 =	vadd.s32 v1, v7  }
0x3d: {  	[tilespmem:$0x260] =	vst v3;
	v3 =	vadd.s32 v17, v22  }
0x3e: {  	s30 =	simm.s32 $0x300;
	[tilespmem:$0x270] =	vst v3  }
0x3f: {  	[tilespmem:s30], [sflag:$0x1] =	stream.indirect_vreg.gather [hbm4b:s3+s2], $0x80, v20, vm0, $0xb8;
	[tilespmem:$0x10300] =	vst v63  }
0x40: {  	_ = 	snop  }
0x41: {  	[tilespmem:s28], [sflag:$0x1] =	stream.indirect_vreg.gather [hbm4b:s3+s2], $0x80, v23, vm0, $0xb8;
	[tilespmem:$0x10300] =	vst v63  }
0x42: {  	v3 =	vld [tilespmem:$0x210];
	_ =	sdelay $0x4  }
0x43: {  	v24 =	vshll.u32 v3, $0x1  }
0x44: {  	v3 =	vand.u32 $0x7, v3;
	v4 =	vand.u32 $0xFFFFFFF0, v24  }
0x45: {  	v3 =	vor.u32 v3, v4  }
0x46: {  	v4 =	vperm.xlane v3, v0;
	_ =	sdelay $0x1  }
0x47: {  	v3 =	vperm.xlane v3, v2;
	v4 =	vadd.s32 v1, v4;
	_ =	sdelay $0x1  }
0x48: {  	v3 =	vadd.s32 v1, v3;
	_ =	sdelay $0x2  }
0x49: {  	[tilespmem:s29], [sflag:$0x1] =	stream.indirect_vreg.gather [hbm4b:s3+s2], $0x80, v4, vm0, $0xb8;
	[tilespmem:$0x10300] =	vst v63  }
0x4a: {  	_ = 	snop  }
0x4b: {  	[tilespmem:s0], [sflag:$0x1] =	stream.indirect_vreg.gather [hbm4b:s3+s2], $0x80, v3, vm0, $0xb8;
	[tilespmem:$0x10300] =	vst v63  }
0x4c: {  	v3 =	vld [tilespmem:$0x220];
	_ =	sdelay $0x4  }
0x4d: {  	v25 =	vshll.u32 v3, $0x1  }
0x4e: {  	v3 =	vand.u32 $0x7, v3;
	v4 =	vand.u32 $0xFFFFFFF0, v25  }
0x4f: {  	v3 =	vor.u32 v3, v4  }
0x50: {  	v4 =	vperm.xlane v3, v0;
	_ =	sdelay $0x1  }
0x51: {  	v3 =	vperm.xlane v3, v2;
	v4 =	vadd.s32 v1, v4;
	_ =	sdelay $0x1  }
0x52: {  	v3 =	vadd.s32 v1, v3;
	_ =	sdelay $0x2  }
0x53: {  	[tilespmem:s4], [sflag:$0x1] =	stream.indirect_vreg.gather [hbm4b:s3+s2], $0x80, v4, vm0, $0xb8;
	[tilespmem:$0x10300] =	vst v63  }
0x54: {  	_ = 	snop  }
0x55: {  	[tilespmem:s5], [sflag:$0x1] =	stream.indirect_vreg.gather [hbm4b:s3+s2], $0x80, v3, vm0, $0xb8;
	[tilespmem:$0x10300] =	vst v63  }
0x56: {  	v3 =	vld [tilespmem:$0x230];
	_ =	sdelay $0x4  }
0x57: {  	v26 =	vshll.u32 v3, $0x1  }
0x58: {  	v3 =	vand.u32 $0x7, v3;
	v4 =	vand.u32 $0xFFFFFFF0, v26  }
0x59: {  	v3 =	vor.u32 v3, v4  }
0x5a: {  	v4 =	vperm.xlane v3, v0;
	_ =	sdelay $0x1  }
0x5b: {  	v3 =	vperm.xlane v3, v2;
	v4 =	vadd.s32 v1, v4;
	_ =	sdelay $0x1  }
0x5c: {  	v3 =	vadd.s32 v1, v3;
	_ =	sdelay $0x2  }
0x5d: {  	[tilespmem:s6], [sflag:$0x1] =	stream.indirect_vreg.gather [hbm4b:s3+s2], $0x80, v4, vm0, $0xb8;
	[tilespmem:$0x10300] =	vst v63  }
0x5e: {  	_ = 	snop  }
0x5f: {  	[tilespmem:s7], [sflag:$0x1] =	stream.indirect_vreg.gather [hbm4b:s3+s2], $0x80, v3, vm0, $0xb8;
	[tilespmem:$0x10300] =	vst v63  }
0x60: {  	v3 =	vld [tilespmem:$0x240];
	_ =	sdelay $0x4  }
0x61: {  	v27 =	vshll.u32 v3, $0x1  }
0x62: {  	v3 =	vand.u32 $0x7, v3;
	v4 =	vand.u32 $0xFFFFFFF0, v27  }
0x63: {  	v3 =	vor.u32 v3, v4  }
0x64: {  	v4 =	vperm.xlane v3, v0;
	_ =	sdelay $0x1  }
0x65: {  	v3 =	vperm.xlane v3, v2;
	v4 =	vadd.s32 v1, v4;
	_ =	sdelay $0x1  }
0x66: {  	v3 =	vadd.s32 v1, v3;
	_ =	sdelay $0x2  }
0x67: {  	[tilespmem:s8], [sflag:$0x1] =	stream.indirect_vreg.gather [hbm4b:s3+s2], $0x80, v4, vm0, $0xb8;
	[tilespmem:$0x10300] =	vst v63  }
0x68: {  	_ = 	snop  }
0x69: {  	[tilespmem:s9], [sflag:$0x1] =	stream.indirect_vreg.gather [hbm4b:s3+s2], $0x80, v3, vm0, $0xb8;
	[tilespmem:$0x10300] =	vst v63  }
0x6a: {  	v3 =	vld [tilespmem:$0x250];
	_ =	sdelay $0x4  }
0x6b: {  	v28 =	vshll.u32 v3, $0x1  }
0x6c: {  	v3 =	vand.u32 $0x7, v3;
	v4 =	vand.u32 $0xFFFFFFF0, v28  }
0x6d: {  	v3 =	vor.u32 v3, v4  }
0x6e: {  	v4 =	vperm.xlane v3, v0;
	_ =	sdelay $0x1  }
0x6f: {  	v3 =	vperm.xlane v3, v2;
	v4 =	vadd.s32 v1, v4;
	_ =	sdelay $0x1  }
0x70: {  	v3 =	vadd.s32 v1, v3;
	_ =	sdelay $0x2  }
0x71: {  	[tilespmem:s10], [sflag:$0x1] =	stream.indirect_vreg.gather [hbm4b:s3+s2], $0x80, v4, vm0, $0xb8;
	[tilespmem:$0x10300] =	vst v63  }
0x72: {  	_ = 	snop  }
0x73: {  	[tilespmem:s11], [sflag:$0x1] =	stream.indirect_vreg.gather [hbm4b:s3+s2], $0x80, v3, vm0, $0xb8;
	[tilespmem:$0x10300] =	vst v63  }
0x74: {  	v3 =	vld [tilespmem:$0x260];
	_ =	sdelay $0x4  }
0x75: {  	v29 =	vshll.u32 v3, $0x1  }
0x76: {  	v3 =	vand.u32 $0x7, v3;
	v4 =	vand.u32 $0xFFFFFFF0, v29  }
0x77: {  	v3 =	vor.u32 v3, v4  }
0x78: {  	v4 =	vperm.xlane v3, v0;
	_ =	sdelay $0x1  }
0x79: {  	v3 =	vperm.xlane v3, v2;
	v4 =	vadd.s32 v1, v4;
	_ =	sdelay $0x1  }
0x7a: {  	v3 =	vadd.s32 v1, v3;
	_ =	sdelay $0x2  }
0x7b: {  	[tilespmem:s13], [sflag:$0x1] =	stream.indirect_vreg.gather [hbm4b:s3+s2], $0x80, v4, vm0, $0xb8;
	[tilespmem:$0x10300] =	vst v63  }
0x7c: {  	_ = 	snop  }
0x7d: {  	[tilespmem:s15], [sflag:$0x1] =	stream.indirect_vreg.gather [hbm4b:s3+s2], $0x80, v3, vm0, $0xb8;
	[tilespmem:$0x10300] =	vst v63  }
0x7e: {  	v3 =	vld [tilespmem:$0x270];
	_ =	sdelay $0x4  }
0x7f: {  	v30 =	vshll.u32 v3, $0x1  }
0x80: {  	v3 =	vand.u32 $0x7, v3;
	v4 =	vand.u32 $0xFFFFFFF0, v30  }
0x81: {  	v3 =	vor.u32 v3, v4  }
0x82: {  	v4 =	vperm.xlane v3, v0;
	_ =	sdelay $0x1  }
0x83: {  	v3 =	vperm.xlane v3, v2;
	v4 =	vadd.s32 v1, v4;
	_ =	sdelay $0x1  }
0x84: {  	v3 =	vadd.s32 v1, v3;
	_ =	sdelay $0x2  }
0x85: {  	[tilespmem:s16], [sflag:$0x1] =	stream.indirect_vreg.gather [hbm4b:s3+s2], $0x80, v4, vm0, $0xb8;
	[tilespmem:$0x10300] =	vst v63  }
0x86: {  	_ = 	snop  }
0x87: {  	[tilespmem:s17], [sflag:$0x1] =	stream.indirect_vreg.gather [hbm4b:s3+s2], $0x80, v3, vm0, $0xb8;
	[tilespmem:$0x10300] =	vst v63  }
0x88: {  	s9 =	rddreg [dreg:$0x9]  }
0x89: {  	[tilespmem:s18], [sflag:$0x5] =	stream.linear.gather [hbm4b:s9+s2], $0x80, $0x38;
	[tilespmem:$0x10300] =	vst v63  }
0x8a: {  	_ =	swait.ge [sflag:s12], $0x80  }
0x8b: {  	[sflag:s12] =	ssyncset.done $0x0  }
0x8c: {  	s10 =	rddreg [dreg:$0xa];
	[sflag:s12] =	ssyncadd.s32 $0xFFFFFF80  }
0x8d: {  	[tilespmem:s19], [sflag:$0x5] =	stream.linear.gather [hbm4b:s10+s2], $0x80, $0x38;
	[tilespmem:$0x10300] =	vst v63  }
0x8e: {  	_ =	swait.ge [sflag:s12], $0x80  }
0x8f: {  	[sflag:s12] =	ssyncset.done $0x0  }
0x90: {  	[sflag:s12] =	ssyncadd.s32 $0xFFFFFF80  }
0x91: {  	v3 =	vld [tilespmem:$0x80]  }
0x92: {  	v31 =	vld [tilespmem:$0x180]  }
0x93: {  	v32 =	vld [tilespmem:$0x90]  }
0x94: {  	v33 =	vld [tilespmem:$0x190]  }
0x95: {  	v34 =	vld [tilespmem:$0xA0]  }
0x96: {  	v35 =	vld [tilespmem:$0x1A0]  }
0x97: {  	v36 =	vld [tilespmem:$0xB0]  }
0x98: {  	v37 =	vld [tilespmem:$0x1B0]  }
0x99: {  	v38 =	vld [tilespmem:$0xC0]  }
0x9a: {  	v39 =	vld [tilespmem:$0x1C0]  }
0x9b: {  	v40 =	vld [tilespmem:$0xD0];
	v3 =	vshll.u32 v3, $0x2  }
0x9c: {  	v41 =	vld [tilespmem:$0x1D0];
	v3 =	vadd.s32 v31, v3  }
0x9d: {  	v42 =	vld [tilespmem:$0xE0];
	v5 =	vshll.u32 v32, $0x2;
	v43 =	vshll.u32 v3, $0x1  }
0x9e: {  	v44 =	vld [tilespmem:$0x1E0];
	v7 =	vshll.u32 v34, $0x2;
	v45 =	vand.u32 $0x7, v3;
	v15 =	vand.u32 $0xFFFFFFF0, v43  }
0x9f: {  	v47 =	vld [tilespmem:$0xF0];
	v49 =	vshll.u32 v38, $0x2;
	[tilespmem:$0x280] =	vst v3;
	v3 =	vadd.s32 v33, v5;
	v48 =	vor.u32 v45, v15  }
0xa0: {  	v50 =	vld [tilespmem:$0x1F0];
	v46 =	vadd.s32 v35, v7;
	[tilespmem:$0x290] =	vst v3;
	v3 =	vshll.u32 v36, $0x2;
	v51 =	vperm.xlane v48, v0  }
0xa1: {  	v52 =	vadd.s32 v39, v49;
	[tilespmem:$0x2A0] =	vst v46;
	v3 =	vadd.s32 v37, v3  }
0xa2: {  	[tilespmem:$0x2B0] =	vst v3;
	v3 =	vshll.u32 v40, $0x2;
	v7 =	vperm.xlane v48, v2;
	v53 =	vadd.s32 v1, v51  }
0xa3: {  	v54 =	vshll.u32 v42, $0x2;
	[tilespmem:$0x2C0] =	vst v52;
	v3 =	vadd.s32 v41, v3  }
0xa4: {  	v55 =	vshll.u32 v47, $0x2;
	[tilespmem:$0x2D0] =	vst v3;
	v3 =	vadd.s32 v44, v54;
	v56 =	vadd.s32 v1, v7  }
0xa5: {  	[tilespmem:$0x2E0] =	vst v3;
	v3 =	vadd.s32 v50, v55  }
0xa6: {  	[tilespmem:$0x2F0] =	vst v3  }
0xa7: {  	[tilespmem:s1], [sflag:$0x2] =	stream.indirect_vreg.gather [hbm4b:s3+s2], $0x80, v53, vm0, $0xb8;
	[tilespmem:$0x10300] =	vst v63  }
0xa8: {  	_ = 	snop  }
0xa9: {  	[tilespmem:s20], [sflag:$0x2] =	stream.indirect_vreg.gather [hbm4b:s3+s2], $0x80, v56, vm0, $0xb8;
	[tilespmem:$0x10300] =	vst v63  }
0xaa: {  	v3 =	vld [tilespmem:$0x290];
	_ =	sdelay $0x4  }
0xab: {  	v57 =	vshll.u32 v3, $0x1  }
0xac: {  	v3 =	vand.u32 $0x7, v3;
	v4 =	vand.u32 $0xFFFFFFF0, v57  }
0xad: {  	v3 =	vor.u32 v3, v4  }
0xae: {  	v4 =	vperm.xlane v3, v0;
	_ =	sdelay $0x1  }
0xaf: {  	v3 =	vperm.xlane v3, v2;
	v4 =	vadd.s32 v1, v4;
	_ =	sdelay $0x1  }
0xb0: {  	v3 =	vadd.s32 v1, v3;
	_ =	sdelay $0x2  }
0xb1: {  	[tilespmem:s14], [sflag:$0x2] =	stream.indirect_vreg.gather [hbm4b:s3+s2], $0x80, v4, vm0, $0xb8;
	[tilespmem:$0x10300] =	vst v63  }
0xb2: {  	_ = 	snop  }
0xb3: {  	[tilespmem:s31], [sflag:$0x2] =	stream.indirect_vreg.gather [hbm4b:s3+s2], $0x80, v3, vm0, $0xb8;
	[tilespmem:$0x10300] =	vst v63  }
0xb4: {  	v3 =	vld [tilespmem:$0x2A0];
	_ =	sdelay $0x4  }
0xb5: {  	v58 =	vshll.u32 v3, $0x1  }
0xb6: {  	v3 =	vand.u32 $0x7, v3;
	v4 =	vand.u32 $0xFFFFFFF0, v58  }
0xb7: {  	v3 =	vor.u32 v3, v4  }
0xb8: {  	v4 =	vperm.xlane v3, v0;
	_ =	sdelay $0x1  }
0xb9: {  	v3 =	vperm.xlane v3, v2;
	v4 =	vadd.s32 v1, v4;
	_ =	sdelay $0x1  }
0xba: {  	v3 =	vadd.s32 v1, v3;
	_ =	sdelay $0x1  }
0xbb: {  	s11 =	simm.s32 $0xA300  }
0xbc: {  	[tilespmem:s11], [sflag:$0x2] =	stream.indirect_vreg.gather [hbm4b:s3+s2], $0x80, v4, vm0, $0xb8;
	[tilespmem:$0x10300] =	vst v63  }
0xbd: {  	s13 =	simm.s32 $0xAB00  }
0xbe: {  	[tilespmem:s13], [sflag:$0x2] =	stream.indirect_vreg.gather [hbm4b:s3+s2], $0x80, v3, vm0, $0xb8;
	[tilespmem:$0x10300] =	vst v63  }
0xbf: {  	v3 =	vld [tilespmem:$0x2B0];
	_ =	sdelay $0x4  }
0xc0: {  	v59 =	vshll.u32 v3, $0x1  }
0xc1: {  	v3 =	vand.u32 $0x7, v3;
	v4 =	vand.u32 $0xFFFFFFF0, v59  }
0xc2: {  	v3 =	vor.u32 v3, v4  }
0xc3: {  	v4 =	vperm.xlane v3, v0;
	_ =	sdelay $0x1  }
0xc4: {  	v3 =	vperm.xlane v3, v2;
	v4 =	vadd.s32 v1, v4;
	_ =	sdelay $0x1  }
0xc5: {  	v3 =	vadd.s32 v1, v3;
	_ =	sdelay $0x1  }
0xc6: {  	s14 =	simm.s32 $0xB300  }
0xc7: {  	[tilespmem:s14], [sflag:$0x2] =	stream.indirect_vreg.gather [hbm4b:s3+s2], $0x80, v4, vm0, $0xb8;
	[tilespmem:$0x10300] =	vst v63  }
0xc8: {  	s15 =	simm.s32 $0xBB00  }
0xc9: {  	[tilespmem:s15], [sflag:$0x2] =	stream.indirect_vreg.gather [hbm4b:s3+s2], $0x80, v3, vm0, $0xb8;
	[tilespmem:$0x10300] =	vst v63  }
0xca: {  	v3 =	vld [tilespmem:$0x2C0];
	_ =	sdelay $0x4  }
0xcb: {  	v60 =	vshll.u32 v3, $0x1  }
0xcc: {  	v3 =	vand.u32 $0x7, v3;
	v4 =	vand.u32 $0xFFFFFFF0, v60  }
0xcd: {  	v3 =	vor.u32 v3, v4  }
0xce: {  	v4 =	vperm.xlane v3, v0;
	_ =	sdelay $0x1  }
0xcf: {  	v3 =	vperm.xlane v3, v2;
	v4 =	vadd.s32 v1, v4;
	_ =	sdelay $0x1  }
0xd0: {  	v3 =	vadd.s32 v1, v3;
	_ =	sdelay $0x1  }
0xd1: {  	s16 =	simm.s32 $0xC300  }
0xd2: {  	[tilespmem:s16], [sflag:$0x2] =	stream.indirect_vreg.gather [hbm4b:s3+s2], $0x80, v4, vm0, $0xb8;
	[tilespmem:$0x10300] =	vst v63  }
0xd3: {  	s17 =	simm.s32 $0xCB00  }
0xd4: {  	[tilespmem:s17], [sflag:$0x2] =	stream.indirect_vreg.gather [hbm4b:s3+s2], $0x80, v3, vm0, $0xb8;
	[tilespmem:$0x10300] =	vst v63  }
0xd5: {  	v3 =	vld [tilespmem:$0x2D0];
	_ =	sdelay $0x4  }
0xd6: {  	v61 =	vshll.u32 v3, $0x1  }
0xd7: {  	v3 =	vand.u32 $0x7, v3;
	v4 =	vand.u32 $0xFFFFFFF0, v61  }
0xd8: {  	v3 =	vor.u32 v3, v4  }
0xd9: {  	v4 =	vperm.xlane v3, v0;
	_ =	sdelay $0x1  }
0xda: {  	v3 =	vperm.xlane v3, v2;
	v4 =	vadd.s32 v1, v4;
	_ =	sdelay $0x1  }
0xdb: {  	v3 =	vadd.s32 v1, v3;
	_ =	sdelay $0x1  }
0xdc: {  	s18 =	simm.s32 $0xD300  }
0xdd: {  	[tilespmem:s18], [sflag:$0x2] =	stream.indirect_vreg.gather [hbm4b:s3+s2], $0x80, v4, vm0, $0xb8;
	[tilespmem:$0x10300] =	vst v63  }
0xde: {  	s19 =	simm.s32 $0xDB00  }
0xdf: {  	[tilespmem:s19], [sflag:$0x2] =	stream.indirect_vreg.gather [hbm4b:s3+s2], $0x80, v3, vm0, $0xb8;
	[tilespmem:$0x10300] =	vst v63  }
0xe0: {  	v3 =	vld [tilespmem:$0x2E0];
	_ =	sdelay $0x4  }
0xe1: {  	v62 =	vshll.u32 v3, $0x1  }
0xe2: {  	v3 =	vand.u32 $0x7, v3;
	v4 =	vand.u32 $0xFFFFFFF0, v62  }
0xe3: {  	v3 =	vor.u32 v3, v4  }
0xe4: {  	v4 =	vperm.xlane v3, v0;
	_ =	sdelay $0x1  }
0xe5: {  	v3 =	vperm.xlane v3, v2;
	v4 =	vadd.s32 v1, v4;
	_ =	sdelay $0x1  }
0xe6: {  	v3 =	vadd.s32 v1, v3;
	_ =	sdelay $0x1  }
0xe7: {  	s20 =	simm.s32 $0xE300  }
0xe8: {  	[tilespmem:s20], [sflag:$0x2] =	stream.indirect_vreg.gather [hbm4b:s3+s2], $0x80, v4, vm0, $0xb8;
	[tilespmem:$0x10300] =	vst v63  }
0xe9: {  	s25 =	simm.s32 $0xEB00  }
0xea: {  	[tilespmem:s25], [sflag:$0x2] =	stream.indirect_vreg.gather [hbm4b:s3+s2], $0x80, v3, vm0, $0xb8;
	[tilespmem:$0x10300] =	vst v63  }
0xeb: {  	v3 =	vld [tilespmem:$0x2F0];
	_ =	sdelay $0x4  }
0xec: {  	v63 =	vshll.u32 v3, $0x1  }
0xed: {  	v3 =	vand.u32 $0x7, v3;
	v4 =	vand.u32 $0xFFFFFFF0, v63  }
0xee: {  	v3 =	vor.u32 v3, v4  }
0xef: {  	v4 =	vperm.xlane v3, v0;
	_ =	sdelay $0x1  }
0xf0: {  	v3 =	vperm.xlane v3, v2;
	v4 =	vadd.s32 v1, v4  }
0xf1: {  	s26 =	simm.s32 $0x300;
	s30 =	simm.s32 $0xFB00  }
0xf2: {  	s29 =	simm.s32 $0x9B00;
	s0 =	simm.s32 $0xF300;
	s5 =	simm.s32 $0x2B00;
	v3 =	vadd.s32 v1, v3  }
0xf3: {  	s6 =	simm.s32 $0x3300;
	s7 =	simm.s32 $0x3B00;
	s8 =	simm.s32 $0x4300  }
0xf4: {  	s9 =	simm.s32 $0x4B00;
	s10 =	simm.s32 $0x5300;
	s31 =	simm.s32 $0x300  }
0xf5: {  	[tilespmem:s0], [sflag:$0x2] =	stream.indirect_vreg.gather [hbm4b:s3+s2], $0x80, v4, vm0, $0xb8;
	[tilespmem:$0x10300] =	vst v63  }
0xf6: {  	s11 =	simm.s32 $0x5B00;
	s13 =	simm.s32 $0x6300;
	s14 =	simm.s32 $0x9300  }
0xf7: {  	[tilespmem:s30], [sflag:$0x2] =	stream.indirect_vreg.gather [hbm4b:s3+s2], $0x80, v3, vm0, $0xb8;
	[tilespmem:$0x10300] =	vst v63  }
0xf8: {  	s15 =	simm.s32 $0x6B00;
	s16 =	simm.s32 $0x7300;
	_ =	swait.ge [sflag:s21], $0x8000  }
0xf9: {  	s17 =	simm.s32 $0x7B00;
	s18 =	simm.s32 $0x80;
	[sflag:s21] =	ssyncset.done $0x0  }
0xfa: {  	s19 =	simm.s32 $0x180;
	s28 =	rddreg [dreg:$0xb];
	[sflag:s21] =	ssyncadd.s32 $0xFFFF8000  }
0xfb: {  	[hbm4b:s28+s2] =	stream.linear.scatter [tilespmem:s26], [sflag:$0x3], $0x8000, $0x38;
	[tilespmem:$0x10300] =	vst v63  }
0xfc: {  	s20 =	simm.s32 $0x8B00;
	s25 =	rddreg [dreg:$0xe];
	s26 =	simm.s32 $0x0  }
.LBB2_2:
0xfd: {  	_ =	swait.ge [sflag:s22], $0x8000  }
0xfe: {  	s28 =	rddreg [dreg:$0x6];
	[sflag:s22] =	ssyncset.done $0x0  }
0xff: {  	[sflag:s22] =	ssyncadd.s32 $0xFFFF8000;
	s28 =	sadd.s32 s26, s28  }
0x100: {  	[tilespmem:s2], [sflag:$0x5] =	stream.linear.gather [hbm4b:s28+s2], $0x80, $0x38;
	[tilespmem:$0x10300] =	vst v63  }
0x101: {  	_ =	swait.ge [sflag:s12], $0x80  }
0x102: {  	s4 =	rddreg [dreg:$0x5];
	[sflag:s12] =	ssyncset.done $0x0  }
0x103: {  	[sflag:s12] =	ssyncadd.s32 $0xFFFFFF80;
	s28 =	sadd.s32 s26, s4;
	s4 =	simm.s32 $0x100  }
0x104: {  	[tilespmem:s4], [sflag:$0x5] =	stream.linear.gather [hbm4b:s28+s2], $0x80, $0x38;
	[tilespmem:$0x10300] =	vst v63  }
0x105: {  	_ =	swait.ge [sflag:s12], $0x80  }
0x106: {  	[sflag:s12] =	ssyncset.done $0x0  }
0x107: {  	[sflag:s12] =	ssyncadd.s32 $0xFFFFFF80  }
0x108: {  	v3 =	vld [tilespmem:$0x0]  }
0x109: {  	v4 =	vld [tilespmem:$0x100]  }
0x10a: {  	v5 =	vld [tilespmem:$0x10]  }
0x10b: {  	v6 =	vld [tilespmem:$0x110]  }
0x10c: {  	v7 =	vld [tilespmem:$0x20]  }
0x10d: {  	v8 =	vld [tilespmem:$0x120]  }
0x10e: {  	v9 =	vld [tilespmem:$0x30]  }
0x10f: {  	v10 =	vld [tilespmem:$0x130]  }
0x110: {  	v11 =	vld [tilespmem:$0x40]  }
0x111: {  	v12 =	vld [tilespmem:$0x140]  }
0x112: {  	v13 =	vld [tilespmem:$0x50];
	v3 =	vshll.u32 v3, $0x2  }
0x113: {  	v60 =	vld [tilespmem:$0x150];
	v3 =	vadd.s32 v4, v3  }
0x114: {  	v14 =	vld [tilespmem:$0x60];
	v5 =	vshll.u32 v5, $0x2;
	v15 =	vshll.u32 v3, $0x1  }
0x115: {  	v16 =	vld [tilespmem:$0x160];
	v7 =	vshll.u32 v7, $0x2;
	v17 =	vand.u32 $0x7, v3;
	v15 =	vand.u32 $0xFFFFFFF0, v15  }
0x116: {  	v62 =	vld [tilespmem:$0x70];
	v61 =	vadd.s32 v8, v7;
	[tilespmem:$0x200] =	vst v3;
	v3 =	vadd.s32 v6, v5;
	v63 =	vor.u32 v17, v15  }
0x117: {  	[tilespmem:$0x210] =	vst v3;
	v3 =	vshll.u32 v9, $0x2;
	v15 =	vshll.u32 v11, $0x2;
	v17 =	vld [tilespmem:$0x170];
	v18 =	vperm.xlane v63, v0  }
0x118: {  	[tilespmem:$0x220] =	vst v61;
	v3 =	vadd.s32 v10, v3;
	v19 =	vadd.s32 v12, v15  }
0x119: {  	[tilespmem:$0x230] =	vst v3;
	v3 =	vshll.u32 v13, $0x2;
	v7 =	vperm.xlane v63, v2;
	v20 =	vadd.s32 v1, v18  }
0x11a: {  	v21 =	vshll.u32 v14, $0x2;
	[tilespmem:$0x240] =	vst v19;
	v3 =	vadd.s32 v60, v3  }
0x11b: {  	v22 =	vshll.u32 v62, $0x2;
	[tilespmem:$0x250] =	vst v3;
	v3 =	vadd.s32 v16, v21;
	v23 =	vadd.s32 v1, v7  }
0x11c: {  	[tilespmem:$0x260] =	vst v3;
	v3 =	vadd.s32 v17, v22  }
0x11d: {  	[tilespmem:$0x270] =	vst v3  }
0x11e: {  	[tilespmem:s31], [sflag:$0x1] =	stream.indirect_vreg.gather [hbm4b:s3+s2], $0x80, v20, vm0, $0xb8;
	[tilespmem:$0x10300] =	vst v63  }
0x11f: {  	s28 =	simm.s32 $0xB00  }
0x120: {  	[tilespmem:s28], [sflag:$0x1] =	stream.indirect_vreg.gather [hbm4b:s3+s2], $0x80, v23, vm0, $0xb8;
	[tilespmem:$0x10300] =	vst v63  }
0x121: {  	v3 =	vld [tilespmem:$0x210];
	_ =	sdelay $0x4  }
0x122: {  	v24 =	vshll.u32 v3, $0x1  }
0x123: {  	v3 =	vand.u32 $0x7, v3;
	v4 =	vand.u32 $0xFFFFFFF0, v24  }
0x124: {  	v3 =	vor.u32 v3, v4  }
0x125: {  	v4 =	vperm.xlane v3, v0;
	_ =	sdelay $0x1  }
0x126: {  	v3 =	vperm.xlane v3, v2;
	v4 =	vadd.s32 v1, v4;
	_ =	sdelay $0x1  }
0x127: {  	v3 =	vadd.s32 v1, v3;
	_ =	sdelay $0x1  }
0x128: {  	s4 =	simm.s32 $0x1300  }
0x129: {  	[tilespmem:s4], [sflag:$0x1] =	stream.indirect_vreg.gather [hbm4b:s3+s2], $0x80, v4, vm0, $0xb8;
	[tilespmem:$0x10300] =	vst v63  }
0x12a: {  	s28 =	simm.s32 $0x1B00  }
0x12b: {  	[tilespmem:s28], [sflag:$0x1] =	stream.indirect_vreg.gather [hbm4b:s3+s2], $0x80, v3, vm0, $0xb8;
	[tilespmem:$0x10300] =	vst v63  }
0x12c: {  	v3 =	vld [tilespmem:$0x220];
	_ =	sdelay $0x4  }
0x12d: {  	v25 =	vshll.u32 v3, $0x1  }
0x12e: {  	v3 =	vand.u32 $0x7, v3;
	v4 =	vand.u32 $0xFFFFFFF0, v25  }
0x12f: {  	v3 =	vor.u32 v3, v4  }
0x130: {  	v4 =	vperm.xlane v3, v0;
	_ =	sdelay $0x1  }
0x131: {  	v3 =	vperm.xlane v3, v2;
	v4 =	vadd.s32 v1, v4;
	_ =	sdelay $0x1  }
0x132: {  	v3 =	vadd.s32 v1, v3;
	_ =	sdelay $0x1  }
0x133: {  	s28 =	simm.s32 $0x2300  }
0x134: {  	[tilespmem:s28], [sflag:$0x1] =	stream.indirect_vreg.gather [hbm4b:s3+s2], $0x80, v4, vm0, $0xb8;
	[tilespmem:$0x10300] =	vst v63  }
0x135: {  	_ = 	snop  }
0x136: {  	[tilespmem:s5], [sflag:$0x1] =	stream.indirect_vreg.gather [hbm4b:s3+s2], $0x80, v3, vm0, $0xb8;
	[tilespmem:$0x10300] =	vst v63  }
0x137: {  	v3 =	vld [tilespmem:$0x230];
	_ =	sdelay $0x4  }
0x138: {  	v26 =	vshll.u32 v3, $0x1  }
0x139: {  	v3 =	vand.u32 $0x7, v3;
	v4 =	vand.u32 $0xFFFFFFF0, v26  }
0x13a: {  	v3 =	vor.u32 v3, v4  }
0x13b: {  	v4 =	vperm.xlane v3, v0;
	_ =	sdelay $0x1  }
0x13c: {  	v3 =	vperm.xlane v3, v2;
	v4 =	vadd.s32 v1, v4;
	_ =	sdelay $0x1  }
0x13d: {  	v3 =	vadd.s32 v1, v3;
	_ =	sdelay $0x2  }
0x13e: {  	[tilespmem:s6], [sflag:$0x1] =	stream.indirect_vreg.gather [hbm4b:s3+s2], $0x80, v4, vm0, $0xb8;
	[tilespmem:$0x10300] =	vst v63  }
0x13f: {  	_ = 	snop  }
0x140: {  	[tilespmem:s7], [sflag:$0x1] =	stream.indirect_vreg.gather [hbm4b:s3+s2], $0x80, v3, vm0, $0xb8;
	[tilespmem:$0x10300] =	vst v63  }
0x141: {  	v3 =	vld [tilespmem:$0x240];
	_ =	sdelay $0x4  }
0x142: {  	v27 =	vshll.u32 v3, $0x1  }
0x143: {  	v3 =	vand.u32 $0x7, v3;
	v4 =	vand.u32 $0xFFFFFFF0, v27  }
0x144: {  	v3 =	vor.u32 v3, v4  }
0x145: {  	v4 =	vperm.xlane v3, v0;
	_ =	sdelay $0x1  }
0x146: {  	v3 =	vperm.xlane v3, v2;
	v4 =	vadd.s32 v1, v4;
	_ =	sdelay $0x1  }
0x147: {  	v3 =	vadd.s32 v1, v3;
	_ =	sdelay $0x2  }
0x148: {  	[tilespmem:s8], [sflag:$0x1] =	stream.indirect_vreg.gather [hbm4b:s3+s2], $0x80, v4, vm0, $0xb8;
	[tilespmem:$0x10300] =	vst v63  }
0x149: {  	_ = 	snop  }
0x14a: {  	[tilespmem:s9], [sflag:$0x1] =	stream.indirect_vreg.gather [hbm4b:s3+s2], $0x80, v3, vm0, $0xb8;
	[tilespmem:$0x10300] =	vst v63  }
0x14b: {  	v3 =	vld [tilespmem:$0x250];
	_ =	sdelay $0x4  }
0x14c: {  	v28 =	vshll.u32 v3, $0x1  }
0x14d: {  	v3 =	vand.u32 $0x7, v3;
	v4 =	vand.u32 $0xFFFFFFF0, v28  }
0x14e: {  	v3 =	vor.u32 v3, v4  }
0x14f: {  	v4 =	vperm.xlane v3, v0;
	_ =	sdelay $0x1  }
0x150: {  	v3 =	vperm.xlane v3, v2;
	v4 =	vadd.s32 v1, v4;
	_ =	sdelay $0x1  }
0x151: {  	v3 =	vadd.s32 v1, v3;
	_ =	sdelay $0x2  }
0x152: {  	[tilespmem:s10], [sflag:$0x1] =	stream.indirect_vreg.gather [hbm4b:s3+s2], $0x80, v4, vm0, $0xb8;
	[tilespmem:$0x10300] =	vst v63  }
0x153: {  	_ = 	snop  }
0x154: {  	[tilespmem:s11], [sflag:$0x1] =	stream.indirect_vreg.gather [hbm4b:s3+s2], $0x80, v3, vm0, $0xb8;
	[tilespmem:$0x10300] =	vst v63  }
0x155: {  	v3 =	vld [tilespmem:$0x260];
	_ =	sdelay $0x4  }
0x156: {  	v29 =	vshll.u32 v3, $0x1  }
0x157: {  	v3 =	vand.u32 $0x7, v3;
	v4 =	vand.u32 $0xFFFFFFF0, v29  }
0x158: {  	v3 =	vor.u32 v3, v4  }
0x159: {  	v4 =	vperm.xlane v3, v0;
	_ =	sdelay $0x1  }
0x15a: {  	v3 =	vperm.xlane v3, v2;
	v4 =	vadd.s32 v1, v4;
	_ =	sdelay $0x1  }
0x15b: {  	v3 =	vadd.s32 v1, v3;
	_ =	sdelay $0x2  }
0x15c: {  	[tilespmem:s13], [sflag:$0x1] =	stream.indirect_vreg.gather [hbm4b:s3+s2], $0x80, v4, vm0, $0xb8;
	[tilespmem:$0x10300] =	vst v63  }
0x15d: {  	_ = 	snop  }
0x15e: {  	[tilespmem:s15], [sflag:$0x1] =	stream.indirect_vreg.gather [hbm4b:s3+s2], $0x80, v3, vm0, $0xb8;
	[tilespmem:$0x10300] =	vst v63  }
0x15f: {  	v3 =	vld [tilespmem:$0x270];
	_ =	sdelay $0x4  }
0x160: {  	v30 =	vshll.u32 v3, $0x1  }
0x161: {  	v3 =	vand.u32 $0x7, v3;
	v4 =	vand.u32 $0xFFFFFFF0, v30  }
0x162: {  	v3 =	vor.u32 v3, v4  }
0x163: {  	v4 =	vperm.xlane v3, v0;
	_ =	sdelay $0x1  }
0x164: {  	v3 =	vperm.xlane v3, v2;
	v4 =	vadd.s32 v1, v4;
	_ =	sdelay $0x1  }
0x165: {  	v3 =	vadd.s32 v1, v3;
	_ =	sdelay $0x2  }
0x166: {  	[tilespmem:s16], [sflag:$0x1] =	stream.indirect_vreg.gather [hbm4b:s3+s2], $0x80, v4, vm0, $0xb8;
	[tilespmem:$0x10300] =	vst v63  }
0x167: {  	_ = 	snop  }
0x168: {  	[tilespmem:s17], [sflag:$0x1] =	stream.indirect_vreg.gather [hbm4b:s3+s2], $0x80, v3, vm0, $0xb8;
	[tilespmem:$0x10300] =	vst v63  }
0x169: {  	_ =	swait.ge [sflag:s23], $0x8000  }
0x16a: {  	[sflag:s23] =	ssyncset.done $0x0  }
0x16b: {  	[sflag:s23] =	ssyncadd.s32 $0xFFFF8000  }
0x16c: {  	[hbm4b:s25+s2] =	stream.linear.scatter [tilespmem:s1], [sflag:$0x4], $0x8000, $0x38;
	[tilespmem:$0x10300] =	vst v63  }
0x16d: {  	_ =	swait.ge [sflag:s24], $0x8000  }
0x16e: {  	s4 =	rddreg [dreg:$0x4];
	[sflag:s24] =	ssyncset.done $0x0  }
0x16f: {  	[sflag:s24] =	ssyncadd.s32 $0xFFFF8000;
	s28 =	sadd.s32 s26, s4  }
0x170: {  	[tilespmem:s18], [sflag:$0x5] =	stream.linear.gather [hbm4b:s28+s2], $0x80, $0x38;
	[tilespmem:$0x10300] =	vst v63  }
0x171: {  	_ =	swait.ge [sflag:s12], $0x80  }
0x172: {  	s4 =	rddreg [dreg:$0x3];
	[sflag:s12] =	ssyncset.done $0x0  }
0x173: {  	[sflag:s12] =	ssyncadd.s32 $0xFFFFFF80;
	s28 =	sadd.s32 s26, s4  }
0x174: {  	[tilespmem:s19], [sflag:$0x5] =	stream.linear.gather [hbm4b:s28+s2], $0x80, $0x38;
	[tilespmem:$0x10300] =	vst v63  }
0x175: {  	_ =	swait.ge [sflag:s12], $0x80  }
0x176: {  	[sflag:s12] =	ssyncset.done $0x0  }
0x177: {  	[sflag:s12] =	ssyncadd.s32 $0xFFFFFF80  }
0x178: {  	v3 =	vld [tilespmem:$0x80]  }
0x179: {  	v31 =	vld [tilespmem:$0x180]  }
0x17a: {  	v32 =	vld [tilespmem:$0x90]  }
0x17b: {  	v33 =	vld [tilespmem:$0x190]  }
0x17c: {  	v34 =	vld [tilespmem:$0xA0]  }
0x17d: {  	v35 =	vld [tilespmem:$0x1A0]  }
0x17e: {  	v36 =	vld [tilespmem:$0xB0]  }
0x17f: {  	v37 =	vld [tilespmem:$0x1B0]  }
0x180: {  	v38 =	vld [tilespmem:$0xC0]  }
0x181: {  	v39 =	vld [tilespmem:$0x1C0]  }
0x182: {  	v40 =	vld [tilespmem:$0xD0];
	v3 =	vshll.u32 v3, $0x2  }
0x183: {  	v41 =	vld [tilespmem:$0x1D0];
	v3 =	vadd.s32 v31, v3  }
0x184: {  	v42 =	vld [tilespmem:$0xE0];
	v5 =	vshll.u32 v32, $0x2;
	v43 =	vshll.u32 v3, $0x1  }
0x185: {  	v44 =	vld [tilespmem:$0x1E0];
	v7 =	vshll.u32 v34, $0x2;
	v45 =	vand.u32 $0x7, v3;
	v15 =	vand.u32 $0xFFFFFFF0, v43  }
0x186: {  	v47 =	vld [tilespmem:$0xF0];
	v49 =	vshll.u32 v38, $0x2;
	[tilespmem:$0x280] =	vst v3;
	v3 =	vadd.s32 v33, v5;
	v48 =	vor.u32 v45, v15  }
0x187: {  	v50 =	vld [tilespmem:$0x1F0];
	v46 =	vadd.s32 v35, v7;
	[tilespmem:$0x290] =	vst v3;
	v3 =	vshll.u32 v36, $0x2;
	v51 =	vperm.xlane v48, v0  }
0x188: {  	v52 =	vadd.s32 v39, v49;
	[tilespmem:$0x2A0] =	vst v46;
	v3 =	vadd.s32 v37, v3  }
0x189: {  	[tilespmem:$0x2B0] =	vst v3;
	v3 =	vshll.u32 v40, $0x2;
	v7 =	vperm.xlane v48, v2;
	v53 =	vadd.s32 v1, v51  }
0x18a: {  	v54 =	vshll.u32 v42, $0x2;
	[tilespmem:$0x2C0] =	vst v52;
	v3 =	vadd.s32 v41, v3  }
0x18b: {  	v55 =	vshll.u32 v47, $0x2;
	[tilespmem:$0x2D0] =	vst v3;
	v3 =	vadd.s32 v44, v54;
	v56 =	vadd.s32 v1, v7  }
0x18c: {  	[tilespmem:$0x2E0] =	vst v3;
	v3 =	vadd.s32 v50, v55  }
0x18d: {  	[tilespmem:$0x2F0] =	vst v3  }
0x18e: {  	[tilespmem:s1], [sflag:$0x2] =	stream.indirect_vreg.gather [hbm4b:s3+s2], $0x80, v53, vm0, $0xb8;
	[tilespmem:$0x10300] =	vst v63  }
0x18f: {  	_ = 	snop  }
0x190: {  	[tilespmem:s20], [sflag:$0x2] =	stream.indirect_vreg.gather [hbm4b:s3+s2], $0x80, v56, vm0, $0xb8;
	[tilespmem:$0x10300] =	vst v63  }
0x191: {  	v3 =	vld [tilespmem:$0x290];
	_ =	sdelay $0x4  }
0x192: {  	v57 =	vshll.u32 v3, $0x1  }
0x193: {  	v3 =	vand.u32 $0x7, v3;
	v4 =	vand.u32 $0xFFFFFFF0, v57  }
0x194: {  	v3 =	vor.u32 v3, v4  }
0x195: {  	v4 =	vperm.xlane v3, v0;
	_ =	sdelay $0x1  }
0x196: {  	v3 =	vperm.xlane v3, v2;
	v4 =	vadd.s32 v1, v4;
	_ =	sdelay $0x1  }
0x197: {  	v3 =	vadd.s32 v1, v3;
	_ =	sdelay $0x2  }
0x198: {  	[tilespmem:s14], [sflag:$0x2] =	stream.indirect_vreg.gather [hbm4b:s3+s2], $0x80, v4, vm0, $0xb8;
	[tilespmem:$0x10300] =	vst v63  }
0x199: {  	_ = 	snop  }
0x19a: {  	[tilespmem:s29], [sflag:$0x2] =	stream.indirect_vreg.gather [hbm4b:s3+s2], $0x80, v3, vm0, $0xb8;
	[tilespmem:$0x10300] =	vst v63  }
0x19b: {  	v3 =	vld [tilespmem:$0x2A0];
	_ =	sdelay $0x4  }
0x19c: {  	v58 =	vshll.u32 v3, $0x1  }
0x19d: {  	v3 =	vand.u32 $0x7, v3;
	v4 =	vand.u32 $0xFFFFFFF0, v58  }
0x19e: {  	v3 =	vor.u32 v3, v4  }
0x19f: {  	v4 =	vperm.xlane v3, v0;
	_ =	sdelay $0x1  }
0x1a0: {  	v3 =	vperm.xlane v3, v2;
	v4 =	vadd.s32 v1, v4;
	_ =	sdelay $0x1  }
0x1a1: {  	v3 =	vadd.s32 v1, v3;
	_ =	sdelay $0x1  }
0x1a2: {  	s4 =	simm.s32 $0xA300  }
0x1a3: {  	[tilespmem:s4], [sflag:$0x2] =	stream.indirect_vreg.gather [hbm4b:s3+s2], $0x80, v4, vm0, $0xb8;
	[tilespmem:$0x10300] =	vst v63  }
0x1a4: {  	s4 =	simm.s32 $0xAB00  }
0x1a5: {  	[tilespmem:s4], [sflag:$0x2] =	stream.indirect_vreg.gather [hbm4b:s3+s2], $0x80, v3, vm0, $0xb8;
	[tilespmem:$0x10300] =	vst v63  }
0x1a6: {  	v3 =	vld [tilespmem:$0x2B0];
	_ =	sdelay $0x4  }
0x1a7: {  	v59 =	vshll.u32 v3, $0x1  }
0x1a8: {  	v3 =	vand.u32 $0x7, v3;
	v4 =	vand.u32 $0xFFFFFFF0, v59  }
0x1a9: {  	v3 =	vor.u32 v3, v4  }
0x1aa: {  	v4 =	vperm.xlane v3, v0;
	_ =	sdelay $0x1  }
0x1ab: {  	v3 =	vperm.xlane v3, v2;
	v4 =	vadd.s32 v1, v4;
	_ =	sdelay $0x1  }
0x1ac: {  	v3 =	vadd.s32 v1, v3;
	_ =	sdelay $0x1  }
0x1ad: {  	s4 =	simm.s32 $0xB300  }
0x1ae: {  	[tilespmem:s4], [sflag:$0x2] =	stream.indirect_vreg.gather [hbm4b:s3+s2], $0x80, v4, vm0, $0xb8;
	[tilespmem:$0x10300] =	vst v63  }
0x1af: {  	s4 =	simm.s32 $0xBB00  }
0x1b0: {  	[tilespmem:s4], [sflag:$0x2] =	stream.indirect_vreg.gather [hbm4b:s3+s2], $0x80, v3, vm0, $0xb8;
	[tilespmem:$0x10300] =	vst v63  }
0x1b1: {  	v3 =	vld [tilespmem:$0x2C0];
	_ =	sdelay $0x4  }
0x1b2: {  	v60 =	vshll.u32 v3, $0x1  }
0x1b3: {  	v3 =	vand.u32 $0x7, v3;
	v4 =	vand.u32 $0xFFFFFFF0, v60  }
0x1b4: {  	v3 =	vor.u32 v3, v4  }
0x1b5: {  	v4 =	vperm.xlane v3, v0;
	_ =	sdelay $0x1  }
0x1b6: {  	v3 =	vperm.xlane v3, v2;
	v4 =	vadd.s32 v1, v4;
	_ =	sdelay $0x1  }
0x1b7: {  	v3 =	vadd.s32 v1, v3;
	_ =	sdelay $0x1  }
0x1b8: {  	s4 =	simm.s32 $0xC300  }
0x1b9: {  	[tilespmem:s4], [sflag:$0x2] =	stream.indirect_vreg.gather [hbm4b:s3+s2], $0x80, v4, vm0, $0xb8;
	[tilespmem:$0x10300] =	vst v63  }
0x1ba: {  	s4 =	simm.s32 $0xCB00  }
0x1bb: {  	[tilespmem:s4], [sflag:$0x2] =	stream.indirect_vreg.gather [hbm4b:s3+s2], $0x80, v3, vm0, $0xb8;
	[tilespmem:$0x10300] =	vst v63  }
0x1bc: {  	v3 =	vld [tilespmem:$0x2D0];
	_ =	sdelay $0x4  }
0x1bd: {  	v61 =	vshll.u32 v3, $0x1  }
0x1be: {  	v3 =	vand.u32 $0x7, v3;
	v4 =	vand.u32 $0xFFFFFFF0, v61  }
0x1bf: {  	v3 =	vor.u32 v3, v4  }
0x1c0: {  	v4 =	vperm.xlane v3, v0;
	_ =	sdelay $0x1  }
0x1c1: {  	v3 =	vperm.xlane v3, v2;
	v4 =	vadd.s32 v1, v4;
	_ =	sdelay $0x1  }
0x1c2: {  	v3 =	vadd.s32 v1, v3;
	_ =	sdelay $0x1  }
0x1c3: {  	s4 =	simm.s32 $0xD300  }
0x1c4: {  	[tilespmem:s4], [sflag:$0x2] =	stream.indirect_vreg.gather [hbm4b:s3+s2], $0x80, v4, vm0, $0xb8;
	[tilespmem:$0x10300] =	vst v63  }
0x1c5: {  	s4 =	simm.s32 $0xDB00  }
0x1c6: {  	[tilespmem:s4], [sflag:$0x2] =	stream.indirect_vreg.gather [hbm4b:s3+s2], $0x80, v3, vm0, $0xb8;
	[tilespmem:$0x10300] =	vst v63  }
0x1c7: {  	v3 =	vld [tilespmem:$0x2E0];
	_ =	sdelay $0x4  }
0x1c8: {  	v62 =	vshll.u32 v3, $0x1  }
0x1c9: {  	v3 =	vand.u32 $0x7, v3;
	v4 =	vand.u32 $0xFFFFFFF0, v62  }
0x1ca: {  	v3 =	vor.u32 v3, v4  }
0x1cb: {  	v4 =	vperm.xlane v3, v0;
	_ =	sdelay $0x1  }
0x1cc: {  	v3 =	vperm.xlane v3, v2;
	v4 =	vadd.s32 v1, v4;
	_ =	sdelay $0x1  }
0x1cd: {  	v3 =	vadd.s32 v1, v3;
	_ =	sdelay $0x1  }
0x1ce: {  	s4 =	simm.s32 $0xE300  }
0x1cf: {  	[tilespmem:s4], [sflag:$0x2] =	stream.indirect_vreg.gather [hbm4b:s3+s2], $0x80, v4, vm0, $0xb8;
	[tilespmem:$0x10300] =	vst v63  }
0x1d0: {  	s4 =	simm.s32 $0xEB00  }
0x1d1: {  	[tilespmem:s4], [sflag:$0x2] =	stream.indirect_vreg.gather [hbm4b:s3+s2], $0x80, v3, vm0, $0xb8;
	[tilespmem:$0x10300] =	vst v63  }
0x1d2: {  	v3 =	vld [tilespmem:$0x2F0];
	_ =	sdelay $0x4  }
0x1d3: {  	v63 =	vshll.u32 v3, $0x1  }
0x1d4: {  	v3 =	vand.u32 $0x7, v3;
	v4 =	vand.u32 $0xFFFFFFF0, v63  }
0x1d5: {  	v3 =	vor.u32 v3, v4  }
0x1d6: {  	v4 =	vperm.xlane v3, v0;
	_ =	sdelay $0x1  }
0x1d7: {  	v3 =	vperm.xlane v3, v2;
	v4 =	vadd.s32 v1, v4;
	_ =	sdelay $0x1  }
0x1d8: {  	v3 =	vadd.s32 v1, v3;
	_ =	sdelay $0x2  }
0x1d9: {  	[tilespmem:s0], [sflag:$0x2] =	stream.indirect_vreg.gather [hbm4b:s3+s2], $0x80, v4, vm0, $0xb8;
	[tilespmem:$0x10300] =	vst v63  }
0x1da: {  	p0 =	sne.s32 s26, $0x140  }
0x1db: {  	[tilespmem:s30], [sflag:$0x2] =	stream.indirect_vreg.gather [hbm4b:s3+s2], $0x80, v3, vm0, $0xb8;
	[tilespmem:$0x10300] =	vst v63  }
.Ltmp0:
0x1dc: {  	_ = 	snop;
	(pc) =	sbr.rel @p0 .LBB2_2-.Ltmp0, $4  }
0x1dd: {  	_ =	swait.ge [sflag:s21], $0x8000  }
0x1de: {  	s26 =	sadd.s32 $0x20, s26;
	[sflag:s21] =	ssyncset.done $0x0  }
0x1df: {  	s4 =	sadd.s32 $0x1000, s25;
	s25 =	sadd.s32 $0x2000, s25;
	[sflag:s21] =	ssyncadd.s32 $0xFFFF8000  }
0x1e0: {  	[hbm4b:s4+s2] =	stream.linear.scatter [tilespmem:s31], [sflag:$0x3], $0x8000, $0x38;
	[tilespmem:$0x10300] =	vst v63  }
0x1e1: {  	_ =	swait.ge [sflag:s23], $0x8000  }
0x1e2: {  	[sflag:s23] =	ssyncset.done $0x0  }
0x1e3: {  	s25 =	rddreg [dreg:$0xc];
	[sflag:s23] =	ssyncadd.s32 $0xFFFF8000  }
0x1e4: {  	[hbm4b:s25+s2] =	stream.linear.scatter [tilespmem:s1], [sflag:$0x4], $0x8000, $0x38;
	[tilespmem:$0x10300] =	vst v63  }
0x1e5: {  	_ =	swait.ge [sflag:s22], $0x8000  }
0x1e6: {  	[sflag:s22] =	ssyncset.done $0x0  }
0x1e7: {  	s28 =	simm.s32 $0xB00;
	s29 =	simm.s32 $0x1300;
	[sflag:s22] =	ssyncadd.s32 $0xFFFF8000  }
0x1e8: {  	s0 =	simm.s32 $0x1B00;
	s4 =	simm.s32 $0x2300;
	_ =	swait.ge [sflag:s24], $0x8000  }
0x1e9: {  	s5 =	simm.s32 $0x2B00;
	s6 =	simm.s32 $0x3300;
	s30 =	rddreg [dreg:$0xf]  }
0x1ea: {  	s7 =	simm.s32 $0x3B00;
	s26 =	rddreg [dreg:$0xd];
	s30 =	sadd.s32 $0x1, s30  }
0x1eb: {  	s8 =	simm.s32 $0x4300;
	s9 =	simm.s32 $0x4B00;
	p0 =	sne.s32 s30, s26  }
.Ltmp1:
0x1ec: {  	s10 =	simm.s32 $0x5300;
	s11 =	simm.s32 $0x5B00;
	(pc) =	sbr.rel @p0 .LBB2_1-.Ltmp1, $4  }
0x1ed: {  	s13 =	simm.s32 $0x6300;
	s15 =	simm.s32 $0x6B00;
	s16 =	simm.s32 $0x7300  }
0x1ee: {  	s17 =	simm.s32 $0x7B00;
	s18 =	simm.s32 $0x80;
	s19 =	simm.s32 $0x180  }
0x1ef: {  	s20 =	simm.s32 $0x8B00;
	s14 =	simm.s32 $0x9300;
	[sflag:s24] =	ssyncset.done $0x0  }
0x1f0: {  	s31 =	simm.s32 $0x9B00;
	[sflag:s24] =	ssyncadd.s32 $0xFFFF8000;
	s26 =	simm.s32 $0x100  }
0x1f1: {  	_ =	sfence.sel $0x180000  }
0x1f2: {  	[bflag:$0x0] =	sbarrier.arrive $0xFFFF  }
0x1f3: {  	_ =	strace $0x90000047  }
0x1f4: {  	s0 =	stileid.u32;
	[bflag:$0x2] =	sbarrier.arrive $0xFFFF  }
0x1f5: {  	p0 =	sne.s32 s0, $0x0;
	s0 =	rddreg [dreg:$0x2]  }
0x1f6: {  	s0 =	sadd.s32 @!p0 $0x100000, s0  }
0x1f7: {  	[sflag:s0] =	ssyncadd.tile.s32 @!p0 $0x1;
	_ =	shalt  }
.Lfunc_end2:
_tile_overlayer_lowered:
.L_overlay_start_2:
0x1f8: {  	(tag) =	ssettag $0x2  }
0x1f9: {  	s0 =	rddreg [dreg:$0x0];
	s2 =	stileid.u32  }
0x1fa: {  	s1 =	rddreg [dreg:$0x1];
	p0 =	sne.s32 s2, $0x0  }
0x1fb: {  	s3 =	rddreg [dreg:$0x2];
	[bflag:$0x3] =	sbarrier.arrive $0xFFFF;
	s2 =	simm.s32 @!p0 $0x1C05  }
0x1fc: {  	[timem:s3], [sflag:s2] =	dma.local @!p0 [hbm:s0], s1  }
0x1fd: {  	s0 =	simm.s32 @!p0 $0x5  }
0x1fe: {  	_ =	swait.ge @!p0 [sflag:s0], s1  }
0x1ff: {  	s1 =	ssub.s32 @!p0 $0x0, s1;
	[sflag:s0] =	ssyncset.done @!p0 $0x0  }
0x200: {  	[sflag:s0] =	ssyncadd.s32 @!p0 s1  }
0x201: {  	[bflag:$0x3] =	sbarrier.arrive $0xFFFF  }
0x202: {  	_ =	shalt  }

</sc_bundles>
